<compile_context>
chip_gen: v7x
topology: tpu7x:2x2x1
jax: 0.10.2.dev20260603
libtpu: 0.0.44.dev20260713+nightly
codegen_flags: <defaults>
</compile_context>

<pallas_src>
import jax
import jax.numpy as jnp
from jax import lax
from jax.experimental import pallas as pl
from jax.experimental.pallas import tpu as pltpu
from jax.experimental.pallas import tpu_sc as plsc

_N = 1_600_000
_G = 10_000
_STEP = 0.01
_NC = 2
_NS = 16
_NW = _NC * _NS
_NT = _N // _NW
_CH = 2_000
_NCHUNK = _NT // _CH
_L = 16
_UNROLL = 25
_GP = 10_240
_GC = _GP // _NS


def _hist_body(loss_hbm, ids_hbm, out_sums, out_counts,
               sums, counts, ids0, ids1, loss0, loss1, blk, blk2, red, red2,
               shs, shc, sem0, sem1):
    cid = lax.axis_index("c")
    sid = lax.axis_index("s")
    wid = cid * _NS + sid

    zero = jnp.zeros((_L,), jnp.float32)
    ones = jnp.ones((_L,), jnp.float32)

    def zbody(i, _):
        for u in range(8):
            d = pl.ds((i * 8 + u) * _L, _L)
            sums[d] = zero
            counts[d] = zero
        return 0
    lax.fori_loop(0, _GP // (_L * 8), zbody, 0)

    base = wid * _NT
    bufs = ((ids0, loss0, sem0), (ids1, loss1, sem1))

    def start(c, b):
        ib, lb, sem = bufs[b]
        off = base + c * _CH
        pltpu.make_async_copy(ids_hbm.at[pl.ds(off, _CH)], ib, sem).start()
        pltpu.make_async_copy(loss_hbm.at[pl.ds(off, _CH)], lb, sem).start()

    def wait(b):
        ib, lb, sem = bufs[b]
        pltpu.make_async_copy(ids_hbm.at[pl.ds(0, _CH)], ib, sem).wait()
        pltpu.make_async_copy(loss_hbm.at[pl.ds(0, _CH)], lb, sem).wait()

    def process(b):
        ib, lb, _ = bufs[b]

        def vbody(i, _):
            for u in range(_UNROLL):
                d = pl.ds((i * _UNROLL + u) * _L, _L)
                idx = ib[d]
                vals = lb[d]
                plsc.addupdate_scatter(sums, [idx], vals)
                plsc.addupdate_scatter(counts, [idx], ones)
            return 0
        lax.fori_loop(0, _CH // (_L * _UNROLL), vbody, 0)

    start(0, 0)
    start(1, 1)

    def chunk_body(k, _):
        c = k * 2
        wait(0)
        process(0)
        start(c + 2, 0)
        wait(1)
        process(1)

        @pl.when(c + 3 < _NCHUNK)
        def _():
            start(c + 3, 1)
        return 0
    lax.fori_loop(0, _NCHUNK // 2, chunk_body, 0)
    wait(0)
    process(0)

    p0 = pltpu.make_async_copy(sums, shs.at[sid], sem0)
    p1 = pltpu.make_async_copy(counts, shc.at[sid], sem1)
    p0.start()
    p1.start()
    p0.wait()
    p1.wait()
    plsc.subcore_barrier()

    gbase = sid * _GC
    g0 = pltpu.make_async_copy(shs.at[:, pl.ds(gbase, _GC)], blk, sem0)
    g1 = pltpu.make_async_copy(shc.at[:, pl.ds(gbase, _GC)], blk2, sem1)
    g0.start()
    g1.start()

    def reduce_block(b, r):
        def rbody(j, _):
            acc = b[0, pl.ds(j * _L, _L)]
            for rr in range(1, _NS):
                acc = acc + b[rr, pl.ds(j * _L, _L)]
            r[pl.ds(j * _L, _L)] = acc
            return 0
        lax.fori_loop(0, _GC // _L, rbody, 0)

    g0.wait()
    reduce_block(blk, red)
    w0 = pltpu.make_async_copy(red, out_sums.at[cid, pl.ds(gbase, _GC)], sem0)
    w0.start()
    g1.wait()
    reduce_block(blk2, red2)
    w1 = pltpu.make_async_copy(red2, out_counts.at[cid, pl.ds(gbase, _GC)], sem1)
    w1.start()
    w0.wait()
    w1.wait()


def _finish_tc(ps_ref, pc_ref, w_ref, out_ref):
    s = ps_ref[0] + ps_ref[1]
    c = pc_ref[0] + pc_ref[1]
    gl = s / jnp.maximum(c, 1.0)
    u = w_ref[...] * jnp.exp(_STEP * gl)
    s_tot = jnp.sum(u)
    t_tot = jnp.sum(u * gl)
    out_ref[...] = jnp.broadcast_to(t_tot / s_tot, (1, 1))


def kernel(losses, group_ids, group_weights):
    mesh = plsc.VectorSubcoreMesh(core_axis_name="c", subcore_axis_name="s")

    hist = pl.kernel(
        _hist_body,
        out_type=(
            jax.ShapeDtypeStruct((_NC, _GP), jnp.float32),
            jax.ShapeDtypeStruct((_NC, _GP), jnp.float32),
        ),
        mesh=mesh,
        compiler_params=pltpu.CompilerParams(needs_layout_passes=False),
        scratch_types=[
            pltpu.VMEM((_GP,), jnp.float32),
            pltpu.VMEM((_GP,), jnp.float32),
            pltpu.VMEM((_CH,), jnp.int32),
            pltpu.VMEM((_CH,), jnp.int32),
            pltpu.VMEM((_CH,), jnp.float32),
            pltpu.VMEM((_CH,), jnp.float32),
            pltpu.VMEM((_NS, _GC), jnp.float32),
            pltpu.VMEM((_NS, _GC), jnp.float32),
            pltpu.VMEM((_GC,), jnp.float32),
            pltpu.VMEM((_GC,), jnp.float32),
            pltpu.VMEM_SHARED((_NS, _GP), jnp.float32),
            pltpu.VMEM_SHARED((_NS, _GP), jnp.float32),
            pltpu.SemaphoreType.DMA,
            pltpu.SemaphoreType.DMA,
        ],
    )
    part_sums, part_counts = hist(losses, group_ids)

    w_pad = jnp.pad(group_weights, (0, _GP - _G))

    ps3 = part_sums.reshape(_NC, _GP // 128, 128)
    pc3 = part_counts.reshape(_NC, _GP // 128, 128)
    w2 = w_pad.reshape(_GP // 128, 128)

    out = pl.pallas_call(
        _finish_tc,
        out_shape=jax.ShapeDtypeStruct((1, 1), jnp.float32),
    )(ps3, pc3, w2)
    return out[0, 0]

# --- scband reference (transcript-rebuilt; emitter-appended) ---
"""Pipeline reference for scband-group-dro-36799279792334 (READ-ONLY COPY).

The authoritative reference and input builder live on the scoring server;
editing this copy changes nothing except your own understanding.
"""

import jax, jax.numpy as jnp
import numpy as np

NUM_GROUPS = 10000
STEP_SIZE = 0.01
N = 1600000


def setup_inputs(seed: int = 0) -> dict:
    key = jax.random.key(seed)
    k1, k2 = jax.random.split(key)
    losses = jax.random.normal(k1, (N,), dtype=jnp.float32)
    group_ids = jax.random.randint(k2, (N,), 0, NUM_GROUPS, dtype=jnp.int32)
    # buffer: group_weights initialized uniform, as in the torch module
    group_weights = jnp.ones((NUM_GROUPS,), dtype=jnp.float32) / NUM_GROUPS
    return {"losses": losses, "group_ids": group_ids, "group_weights": group_weights}


def reference(losses, group_ids, group_weights):
    # per-group sums and counts via segment reduction (replaces the python loop)
    sums = jax.ops.segment_sum(losses, group_ids, num_segments=NUM_GROUPS)
    counts = jax.ops.segment_sum(jnp.ones_like(losses), group_ids, num_segments=NUM_GROUPS)
    # mean where the group is present, 0 otherwise (matches torch: untouched entries stay 0)
    group_losses = sums / jnp.maximum(counts, 1.0)
    active_any = jnp.any(counts > 0)
    # exponentiated-gradient weight update (no_grad in torch; plain fwd here)
    updated = group_weights * jnp.exp(STEP_SIZE * group_losses)
    updated = updated / updated.sum()
    new_weights = jnp.where(active_any, updated, group_weights)
    weighted_loss = (new_weights * group_losses).sum()
    return weighted_loss

if __name__ == "__main__":
    import jax
    _d = setup_inputs()
    print(jax.jit(kernel)(*tuple(_d.values())))

</pallas_src>

<mosaic_0001>
#map = affine_map<(d0, d1) -> (0)>
#map1 = affine_map<(d0, d1) -> (0, 0)>
module attributes {stable_mosaic.version = 14 : i64} {
  func.func @_hist_body(%arg0: i32, %arg1: i32, %arg2: memref<1600000xf32, #tpu.memory_space<hbm>>, %arg3: memref<1600000xi32, #tpu.memory_space<hbm>>, %arg4: memref<2x10240xf32, #tpu.memory_space<hbm>>, %arg5: memref<2x10240xf32, #tpu.memory_space<hbm>>, %arg6: memref<10240xf32, #tpu.memory_space<vmem>>, %arg7: memref<10240xf32, #tpu.memory_space<vmem>>, %arg8: memref<2000xi32, #tpu.memory_space<vmem>>, %arg9: memref<2000xi32, #tpu.memory_space<vmem>>, %arg10: memref<2000xf32, #tpu.memory_space<vmem>>, %arg11: memref<2000xf32, #tpu.memory_space<vmem>>, %arg12: memref<16x640xf32, #tpu.memory_space<vmem>>, %arg13: memref<16x640xf32, #tpu.memory_space<vmem>>, %arg14: memref<640xf32, #tpu.memory_space<vmem>>, %arg15: memref<640xf32, #tpu.memory_space<vmem>>, %arg16: memref<16x10240xf32, #tpu.memory_space<vmem_shared>>, %arg17: memref<16x10240xf32, #tpu.memory_space<vmem_shared>>, %arg18: memref<!tpu.dma_semaphore, #tpu.memory_space<semaphore_mem>>, %arg19: memref<!tpu.dma_semaphore, #tpu.memory_space<semaphore_mem>>) attributes {dimension_semantics = [#tpu.dimension_semantics<core_parallel>, #tpu.dimension_semantics<subcore_parallel>], iteration_bounds = array<i64: 2, 16>, scalar_prefetch = 0 : i64, scratch_operands = 14 : i64, tpu.core_type = #tpu.core_type<sc_vector_subcore>, window_params = [{transform_indices = #map}, {transform_indices = #map}, {transform_indices = #map1}, {transform_indices = #map1}]} {
    %mul3A = arith.constant 16 : i32
    %mul3A_0 = arith.muli %arg0, %mul3A : i32
    %add3A = arith.addi %mul3A_0, %arg1 : i32
    %broadcast_in_dim3A = arith.constant 0.000000e+00 : f32
    %broadcast_in_dim3A_1 = vector.broadcast %broadcast_in_dim3A : f32 to vector<16xf32>
    %broadcast_in_dim3A_2 = arith.constant 1.000000e+00 : f32
    %broadcast_in_dim3A_3 = vector.broadcast %broadcast_in_dim3A_2 : f32 to vector<16xf32>
    %scan3A = arith.constant 0 : i32
    %scan3A_4 = arith.constant 0 : i32
    %scan3A_5 = arith.constant 80 : i32
    %scan3A_6 = arith.addi %scan3A_4, %scan3A_5 : i32
    %scan3A_7 = arith.constant 1 : i32
    %scan3A_8 = scf.for %scan3A_116 = %scan3A_4 to %scan3A_6 step %scan3A_7 iter_args(%scan3A_117 = %scan3A) -> (i32)  : i32 {
      %mul3A_118 = arith.constant 8 : i32
      %mul3A_119 = arith.muli %scan3A_116, %mul3A_118 : i32
      %add3A_120 = arith.constant 0 : i32
      %add3A_121 = arith.addi %mul3A_119, %add3A_120 : i32
      %mul3A_122 = arith.constant 16 : i32
      %mul3A_123 = arith.muli %add3A_121, %mul3A_122 : i32
      %swap3A = arith.index_cast %mul3A_123 : i32 to index
      %swap3A_124 = tpu.vector_load %arg6[%swap3A] {strides = array<i32>} : memref<10240xf32, #tpu.memory_space<vmem>>, vector<16xf32>,
      tpu.vector_store %arg6[%swap3A], %broadcast_in_dim3A_1 {strides = array<i32>} : memref<10240xf32, #tpu.memory_space<vmem>>, vector<16xf32>,
      %swap3A_125 = arith.index_cast %mul3A_123 : i32 to index
      %swap3A_126 = tpu.vector_load %arg7[%swap3A_125] {strides = array<i32>} : memref<10240xf32, #tpu.memory_space<vmem>>, vector<16xf32>,
      tpu.vector_store %arg7[%swap3A_125], %broadcast_in_dim3A_1 {strides = array<i32>} : memref<10240xf32, #tpu.memory_space<vmem>>, vector<16xf32>,
      %mul3A_127 = arith.constant 8 : i32
      %mul3A_128 = arith.muli %scan3A_116, %mul3A_127 : i32
      %add3A_129 = arith.constant 1 : i32
      %add3A_130 = arith.addi %mul3A_128, %add3A_129 : i32
      %mul3A_131 = arith.constant 16 : i32
      %mul3A_132 = arith.muli %add3A_130, %mul3A_131 : i32
      %swap3A_133 = arith.index_cast %mul3A_132 : i32 to index
      %swap3A_134 = tpu.vector_load %arg6[%swap3A_133] {strides = array<i32>} : memref<10240xf32, #tpu.memory_space<vmem>>, vector<16xf32>,
      tpu.vector_store %arg6[%swap3A_133], %broadcast_in_dim3A_1 {strides = array<i32>} : memref<10240xf32, #tpu.memory_space<vmem>>, vector<16xf32>,
      %swap3A_135 = arith.index_cast %mul3A_132 : i32 to index
      %swap3A_136 = tpu.vector_load %arg7[%swap3A_135] {strides = array<i32>} : memref<10240xf32, #tpu.memory_space<vmem>>, vector<16xf32>,
      tpu.vector_store %arg7[%swap3A_135], %broadcast_in_dim3A_1 {strides = array<i32>} : memref<10240xf32, #tpu.memory_space<vmem>>, vector<16xf32>,
      %mul3A_137 = arith.constant 8 : i32
      %mul3A_138 = arith.muli %scan3A_116, %mul3A_137 : i32
      %add3A_139 = arith.constant 2 : i32
      %add3A_140 = arith.addi %mul3A_138, %add3A_139 : i32
      %mul3A_141 = arith.constant 16 : i32
      %mul3A_142 = arith.muli %add3A_140, %mul3A_141 : i32
      %swap3A_143 = arith.index_cast %mul3A_142 : i32 to index
      %swap3A_144 = tpu.vector_load %arg6[%swap3A_143] {strides = array<i32>} : memref<10240xf32, #tpu.memory_space<vmem>>, vector<16xf32>,
      tpu.vector_store %arg6[%swap3A_143], %broadcast_in_dim3A_1 {strides = array<i32>} : memref<10240xf32, #tpu.memory_space<vmem>>, vector<16xf32>,
      %swap3A_145 = arith.index_cast %mul3A_142 : i32 to index
      %swap3A_146 = tpu.vector_load %arg7[%swap3A_145] {strides = array<i32>} : memref<10240xf32, #tpu.memory_space<vmem>>, vector<16xf32>,
      tpu.vector_store %arg7[%swap3A_145], %broadcast_in_dim3A_1 {strides = array<i32>} : memref<10240xf32, #tpu.memory_space<vmem>>, vector<16xf32>,
      %mul3A_147 = arith.constant 8 : i32
      %mul3A_148 = arith.muli %scan3A_116, %mul3A_147 : i32
      %add3A_149 = arith.constant 3 : i32
      %add3A_150 = arith.addi %mul3A_148, %add3A_149 : i32
      %mul3A_151 = arith.constant 16 : i32
      %mul3A_152 = arith.muli %add3A_150, %mul3A_151 : i32
      %swap3A_153 = arith.index_cast %mul3A_152 : i32 to index
      %swap3A_154 = tpu.vector_load %arg6[%swap3A_153] {strides = array<i32>} : memref<10240xf32, #tpu.memory_space<vmem>>, vector<16xf32>,
      tpu.vector_store %arg6[%swap3A_153], %broadcast_in_dim3A_1 {strides = array<i32>} : memref<10240xf32, #tpu.memory_space<vmem>>, vector<16xf32>,
      %swap3A_155 = arith.index_cast %mul3A_152 : i32 to index
      %swap3A_156 = tpu.vector_load %arg7[%swap3A_155] {strides = array<i32>} : memref<10240xf32, #tpu.memory_space<vmem>>, vector<16xf32>,
      tpu.vector_store %arg7[%swap3A_155], %broadcast_in_dim3A_1 {strides = array<i32>} : memref<10240xf32, #tpu.memory_space<vmem>>, vector<16xf32>,
      %mul3A_157 = arith.constant 8 : i32
      %mul3A_158 = arith.muli %scan3A_116, %mul3A_157 : i32
      %add3A_159 = arith.constant 4 : i32
      %add3A_160 = arith.addi %mul3A_158, %add3A_159 : i32
      %mul3A_161 = arith.constant 16 : i32
      %mul3A_162 = arith.muli %add3A_160, %mul3A_161 : i32
      %swap3A_163 = arith.index_cast %mul3A_162 : i32 to index
      %swap3A_164 = tpu.vector_load %arg6[%swap3A_163] {strides = array<i32>} : memref<10240xf32, #tpu.memory_space<vmem>>, vector<16xf32>,
      tpu.vector_store %arg6[%swap3A_163], %broadcast_in_dim3A_1 {strides = array<i32>} : memref<10240xf32, #tpu.memory_space<vmem>>, vector<16xf32>,
      %swap3A_165 = arith.index_cast %mul3A_162 : i32 to index
      %swap3A_166 = tpu.vector_load %arg7[%swap3A_165] {strides = array<i32>} : memref<10240xf32, #tpu.memory_space<vmem>>, vector<16xf32>,
      tpu.vector_store %arg7[%swap3A_165], %broadcast_in_dim3A_1 {strides = array<i32>} : memref<10240xf32, #tpu.memory_space<vmem>>, vector<16xf32>,
      %mul3A_167 = arith.constant 8 : i32
      %mul3A_168 = arith.muli %scan3A_116, %mul3A_167 : i32
      %add3A_169 = arith.constant 5 : i32
      %add3A_170 = arith.addi %mul3A_168, %add3A_169 : i32
      %mul3A_171 = arith.constant 16 : i32
      %mul3A_172 = arith.muli %add3A_170, %mul3A_171 : i32
      %swap3A_173 = arith.index_cast %mul3A_172 : i32 to index
      %swap3A_174 = tpu.vector_load %arg6[%swap3A_173] {strides = array<i32>} : memref<10240xf32, #tpu.memory_space<vmem>>, vector<16xf32>,
      tpu.vector_store %arg6[%swap3A_173], %broadcast_in_dim3A_1 {strides = array<i32>} : memref<10240xf32, #tpu.memory_space<vmem>>, vector<16xf32>,
      %swap3A_175 = arith.index_cast %mul3A_172 : i32 to index
      %swap3A_176 = tpu.vector_load %arg7[%swap3A_175] {strides = array<i32>} : memref<10240xf32, #tpu.memory_space<vmem>>, vector<16xf32>,
      tpu.vector_store %arg7[%swap3A_175], %broadcast_in_dim3A_1 {strides = array<i32>} : memref<10240xf32, #tpu.memory_space<vmem>>, vector<16xf32>,
      %mul3A_177 = arith.constant 8 : i32
      %mul3A_178 = arith.muli %scan3A_116, %mul3A_177 : i32
      %add3A_179 = arith.constant 6 : i32
      %add3A_180 = arith.addi %mul3A_178, %add3A_179 : i32
      %mul3A_181 = arith.constant 16 : i32
      %mul3A_182 = arith.muli %add3A_180, %mul3A_181 : i32
      %swap3A_183 = arith.index_cast %mul3A_182 : i32 to index
      %swap3A_184 = tpu.vector_load %arg6[%swap3A_183] {strides = array<i32>} : memref<10240xf32, #tpu.memory_space<vmem>>, vector<16xf32>,
      tpu.vector_store %arg6[%swap3A_183], %broadcast_in_dim3A_1 {strides = array<i32>} : memref<10240xf32, #tpu.memory_space<vmem>>, vector<16xf32>,
      %swap3A_185 = arith.index_cast %mul3A_182 : i32 to index
      %swap3A_186 = tpu.vector_load %arg7[%swap3A_185] {strides = array<i32>} : memref<10240xf32, #tpu.memory_space<vmem>>, vector<16xf32>,
      tpu.vector_store %arg7[%swap3A_185], %broadcast_in_dim3A_1 {strides = array<i32>} : memref<10240xf32, #tpu.memory_space<vmem>>, vector<16xf32>,
      %mul3A_187 = arith.constant 8 : i32
      %mul3A_188 = arith.muli %scan3A_116, %mul3A_187 : i32
      %add3A_189 = arith.constant 7 : i32
      %add3A_190 = arith.addi %mul3A_188, %add3A_189 : i32
      %mul3A_191 = arith.constant 16 : i32
      %mul3A_192 = arith.muli %add3A_190, %mul3A_191 : i32
      %swap3A_193 = arith.index_cast %mul3A_192 : i32 to index
      %swap3A_194 = tpu.vector_load %arg6[%swap3A_193] {strides = array<i32>} : memref<10240xf32, #tpu.memory_space<vmem>>, vector<16xf32>,
      tpu.vector_store %arg6[%swap3A_193], %broadcast_in_dim3A_1 {strides = array<i32>} : memref<10240xf32, #tpu.memory_space<vmem>>, vector<16xf32>,
      %swap3A_195 = arith.index_cast %mul3A_192 : i32 to index
      %swap3A_196 = tpu.vector_load %arg7[%swap3A_195] {strides = array<i32>} : memref<10240xf32, #tpu.memory_space<vmem>>, vector<16xf32>,
      tpu.vector_store %arg7[%swap3A_195], %broadcast_in_dim3A_1 {strides = array<i32>} : memref<10240xf32, #tpu.memory_space<vmem>>, vector<16xf32>,
      %scan3A_197 = arith.constant 0 : i32
      scf.yield %scan3A_197 : i32
    }
    %scan3A_9 = arith.constant 80 : i32
    %mul3A_10 = arith.constant 50000 : i32
    %mul3A_11 = arith.muli %add3A, %mul3A_10 : i32
    %add3A_12 = arith.constant 0 : i32
    %add3A_13 = arith.addi %mul3A_11, %add3A_12 : i32
    %dma_start3A = tpu.memref_slice %arg3[%add3A_13] : memref<1600000xi32, #tpu.memory_space<hbm>> -> memref<2000xi32, #tpu.memory_space<hbm>>
    %dma_start3A_14 = tpu.memref_slice %arg3[%add3A_13] : memref<1600000xi32, #tpu.memory_space<hbm>> -> memref<2000xi32, #tpu.memory_space<hbm>>
    tpu.enqueue_dma source(%dma_start3A_14 : memref<2000xi32, #tpu.memory_space<hbm>>) target(%arg8 : memref<2000xi32, #tpu.memory_space<vmem>>) target_semaphore(%arg18 : memref<!tpu.dma_semaphore, #tpu.memory_space<semaphore_mem>>)
    %dma_start3A_15 = tpu.memref_slice %arg2[%add3A_13] : memref<1600000xf32, #tpu.memory_space<hbm>> -> memref<2000xf32, #tpu.memory_space<hbm>>
    %dma_start3A_16 = tpu.memref_slice %arg2[%add3A_13] : memref<1600000xf32, #tpu.memory_space<hbm>> -> memref<2000xf32, #tpu.memory_space<hbm>>
    tpu.enqueue_dma source(%dma_start3A_16 : memref<2000xf32, #tpu.memory_space<hbm>>) target(%arg10 : memref<2000xf32, #tpu.memory_space<vmem>>) target_semaphore(%arg18 : memref<!tpu.dma_semaphore, #tpu.memory_space<semaphore_mem>>)
    %add3A_17 = arith.constant 2000 : i32
    %add3A_18 = arith.addi %mul3A_11, %add3A_17 : i32
    %dma_start3A_19 = tpu.memref_slice %arg3[%add3A_18] : memref<1600000xi32, #tpu.memory_space<hbm>> -> memref<2000xi32, #tpu.memory_space<hbm>>
    %dma_start3A_20 = tpu.memref_slice %arg3[%add3A_18] : memref<1600000xi32, #tpu.memory_space<hbm>> -> memref<2000xi32, #tpu.memory_space<hbm>>
    tpu.enqueue_dma source(%dma_start3A_20 : memref<2000xi32, #tpu.memory_space<hbm>>) target(%arg9 : memref<2000xi32, #tpu.memory_space<vmem>>) target_semaphore(%arg19 : memref<!tpu.dma_semaphore, #tpu.memory_space<semaphore_mem>>)
    %dma_start3A_21 = tpu.memref_slice %arg2[%add3A_18] : memref<1600000xf32, #tpu.memory_space<hbm>> -> memref<2000xf32, #tpu.memory_space<hbm>>
    %dma_start3A_22 = tpu.memref_slice %arg2[%add3A_18] : memref<1600000xf32, #tpu.memory_space<hbm>> -> memref<2000xf32, #tpu.memory_space<hbm>>
    tpu.enqueue_dma source(%dma_start3A_22 : memref<2000xf32, #tpu.memory_space<hbm>>) target(%arg11 : memref<2000xf32, #tpu.memory_space<vmem>>) target_semaphore(%arg19 : memref<!tpu.dma_semaphore, #tpu.memory_space<semaphore_mem>>)
    %scan3A_23 = arith.constant 0 : i32
    %scan3A_24 = arith.constant 0 : i32
    %scan3A_25 = arith.constant 12 : i32
    %scan3A_26 = arith.addi %scan3A_24, %scan3A_25 : i32
    %scan3A_27 = arith.constant 1 : i32
    %scan3A_28 = scf.for %scan3A_116 = %scan3A_24 to %scan3A_26 step %scan3A_27 iter_args(%scan3A_117 = %scan3A_23) -> (i32)  : i32 {
      %mul3A_118 = arith.constant 2 : i32
      %mul3A_119 = arith.muli %scan3A_116, %mul3A_118 : i32
      %dma_wait3A_120 = arith.constant 0 : i32
      %dma_wait3A_121 = tpu.memref_slice %arg3[%dma_wait3A_120] : memref<1600000xi32, #tpu.memory_space<hbm>> -> memref<2000xi32, #tpu.memory_space<hbm>>
      %dma_wait3A_122 = arith.constant 0 : i32
      %dma_wait3A_123 = tpu.memref_slice %arg3[%dma_wait3A_122] : memref<1600000xi32, #tpu.memory_space<hbm>> -> memref<2000xi32, #tpu.memory_space<hbm>>
      tpu.wait_dma2 semaphore(%arg18 : memref<!tpu.dma_semaphore, #tpu.memory_space<semaphore_mem>>) src(%dma_wait3A_123 : memref<2000xi32, #tpu.memory_space<hbm>>) dst(%arg8 : memref<2000xi32, #tpu.memory_space<vmem>>)
      %dma_wait3A_124 = arith.constant 0 : i32
      %dma_wait3A_125 = tpu.memref_slice %arg2[%dma_wait3A_124] : memref<1600000xf32, #tpu.memory_space<hbm>> -> memref<2000xf32, #tpu.memory_space<hbm>>
      %dma_wait3A_126 = arith.constant 0 : i32
      %dma_wait3A_127 = tpu.memref_slice %arg2[%dma_wait3A_126] : memref<1600000xf32, #tpu.memory_space<hbm>> -> memref<2000xf32, #tpu.memory_space<hbm>>
      tpu.wait_dma2 semaphore(%arg18 : memref<!tpu.dma_semaphore, #tpu.memory_space<semaphore_mem>>) src(%dma_wait3A_127 : memref<2000xf32, #tpu.memory_space<hbm>>) dst(%arg10 : memref<2000xf32, #tpu.memory_space<vmem>>)
      %scan3A_128 = arith.constant 0 : i32
      %scan3A_129 = arith.constant 0 : i32
      %scan3A_130 = arith.constant 5 : i32
      %scan3A_131 = arith.addi %scan3A_129, %scan3A_130 : i32
      %scan3A_132 = arith.constant 1 : i32
      %scan3A_133 = scf.for %scan3A_164 = %scan3A_129 to %scan3A_131 step %scan3A_132 iter_args(%scan3A_165 = %scan3A_128) -> (i32)  : i32 {
        %mul3A_166 = arith.constant 25 : i32
        %mul3A_167 = arith.muli %scan3A_164, %mul3A_166 : i32
        %add3A_168 = arith.constant 0 : i32
        %add3A_169 = arith.addi %mul3A_167, %add3A_168 : i32
        %mul3A_170 = arith.constant 16 : i32
        %mul3A_171 = arith.muli %add3A_169, %mul3A_170 : i32
        %get3A = arith.index_cast %mul3A_171 : i32 to index
        %get3A_172 = tpu.vector_load %arg8[%get3A] {strides = array<i32>} : memref<2000xi32, #tpu.memory_space<vmem>>, vector<16xi32>,
        %get3A_173 = arith.index_cast %mul3A_171 : i32 to index
        %get3A_174 = tpu.vector_load %arg10[%get3A_173] {strides = array<i32>} : memref<2000xf32, #tpu.memory_space<vmem>>, vector<16xf32>,
        tpu.vector_store_idx %arg6[%get3A_172], %get3A_174 {add = true} : memref<10240xf32, #tpu.memory_space<vmem>>[vector<16xi32>], vector<16xf32>,
        tpu.vector_store_idx %arg7[%get3A_172], %broadcast_in_dim3A_3 {add = true} : memref<10240xf32, #tpu.memory_space<vmem>>[vector<16xi32>], vector<16xf32>,
        %mul3A_175 = arith.constant 25 : i32
        %mul3A_176 = arith.muli %scan3A_164, %mul3A_175 : i32
        %add3A_177 = arith.constant 1 : i32
        %add3A_178 = arith.addi %mul3A_176, %add3A_177 : i32
        %mul3A_179 = arith.constant 16 : i32
        %mul3A_180 = arith.muli %add3A_178, %mul3A_179 : i32
        %get3A_181 = arith.index_cast %mul3A_180 : i32 to index
        %get3A_182 = tpu.vector_load %arg8[%get3A_181] {strides = array<i32>} : memref<2000xi32, #tpu.memory_space<vmem>>, vector<16xi32>,
        %get3A_183 = arith.index_cast %mul3A_180 : i32 to index
        %get3A_184 = tpu.vector_load %arg10[%get3A_183] {strides = array<i32>} : memref<2000xf32, #tpu.memory_space<vmem>>, vector<16xf32>,
        tpu.vector_store_idx %arg6[%get3A_182], %get3A_184 {add = true} : memref<10240xf32, #tpu.memory_space<vmem>>[vector<16xi32>], vector<16xf32>,
        tpu.vector_store_idx %arg7[%get3A_182], %broadcast_in_dim3A_3 {add = true} : memref<10240xf32, #tpu.memory_space<vmem>>[vector<16xi32>], vector<16xf32>,
        %mul3A_185 = arith.constant 25 : i32
        %mul3A_186 = arith.muli %scan3A_164, %mul3A_185 : i32
        %add3A_187 = arith.constant 2 : i32
        %add3A_188 = arith.addi %mul3A_186, %add3A_187 : i32
        %mul3A_189 = arith.constant 16 : i32
        %mul3A_190 = arith.muli %add3A_188, %mul3A_189 : i32
        %get3A_191 = arith.index_cast %mul3A_190 : i32 to index
        %get3A_192 = tpu.vector_load %arg8[%get3A_191] {strides = array<i32>} : memref<2000xi32, #tpu.memory_space<vmem>>, vector<16xi32>,
        %get3A_193 = arith.index_cast %mul3A_190 : i32 to index
        %get3A_194 = tpu.vector_load %arg10[%get3A_193] {strides = array<i32>} : memref<2000xf32, #tpu.memory_space<vmem>>, vector<16xf32>,
        tpu.vector_store_idx %arg6[%get3A_192], %get3A_194 {add = true} : memref<10240xf32, #tpu.memory_space<vmem>>[vector<16xi32>], vector<16xf32>,
        tpu.vector_store_idx %arg7[%get3A_192], %broadcast_in_dim3A_3 {add = true} : memref<10240xf32, #tpu.memory_space<vmem>>[vector<16xi32>], vector<16xf32>,
        %mul3A_195 = arith.constant 25 : i32
        %mul3A_196 = arith.muli %scan3A_164, %mul3A_195 : i32
        %add3A_197 = arith.constant 3 : i32
        %add3A_198 = arith.addi %mul3A_196, %add3A_197 : i32
        %mul3A_199 = arith.constant 16 : i32
        %mul3A_200 = arith.muli %add3A_198, %mul3A_199 : i32
        %get3A_201 = arith.index_cast %mul3A_200 : i32 to index
        %get3A_202 = tpu.vector_load %arg8[%get3A_201] {strides = array<i32>} : memref<2000xi32, #tpu.memory_space<vmem>>, vector<16xi32>,
        %get3A_203 = arith.index_cast %mul3A_200 : i32 to index
        %get3A_204 = tpu.vector_load %arg10[%get3A_203] {strides = array<i32>} : memref<2000xf32, #tpu.memory_space<vmem>>, vector<16xf32>,
        tpu.vector_store_idx %arg6[%get3A_202], %get3A_204 {add = true} : memref<10240xf32, #tpu.memory_space<vmem>>[vector<16xi32>], vector<16xf32>,
        tpu.vector_store_idx %arg7[%get3A_202], %broadcast_in_dim3A_3 {add = true} : memref<10240xf32, #tpu.memory_space<vmem>>[vector<16xi32>], vector<16xf32>,
        %mul3A_205 = arith.constant 25 : i32
        %mul3A_206 = arith.muli %scan3A_164, %mul3A_205 : i32
        %add3A_207 = arith.constant 4 : i32
        %add3A_208 = arith.addi %mul3A_206, %add3A_207 : i32
        %mul3A_209 = arith.constant 16 : i32
        %mul3A_210 = arith.muli %add3A_208, %mul3A_209 : i32
        %get3A_211 = arith.index_cast %mul3A_210 : i32 to index
        %get3A_212 = tpu.vector_load %arg8[%get3A_211] {strides = array<i32>} : memref<2000xi32, #tpu.memory_space<vmem>>, vector<16xi32>,
        %get3A_213 = arith.index_cast %mul3A_210 : i32 to index
        %get3A_214 = tpu.vector_load %arg10[%get3A_213] {strides = array<i32>} : memref<2000xf32, #tpu.memory_space<vmem>>, vector<16xf32>,
        tpu.vector_store_idx %arg6[%get3A_212], %get3A_214 {add = true} : memref<10240xf32, #tpu.memory_space<vmem>>[vector<16xi32>], vector<16xf32>,
        tpu.vector_store_idx %arg7[%get3A_212], %broadcast_in_dim3A_3 {add = true} : memref<10240xf32, #tpu.memory_space<vmem>>[vector<16xi32>], vector<16xf32>,
        %mul3A_215 = arith.constant 25 : i32
        %mul3A_216 = arith.muli %scan3A_164, %mul3A_215 : i32
        %add3A_217 = arith.constant 5 : i32
        %add3A_218 = arith.addi %mul3A_216, %add3A_217 : i32
        %mul3A_219 = arith.constant 16 : i32
        %mul3A_220 = arith.muli %add3A_218, %mul3A_219 : i32
        %get3A_221 = arith.index_cast %mul3A_220 : i32 to index
        %get3A_222 = tpu.vector_load %arg8[%get3A_221] {strides = array<i32>} : memref<2000xi32, #tpu.memory_space<vmem>>, vector<16xi32>,
        %get3A_223 = arith.index_cast %mul3A_220 : i32 to index
        %get3A_224 = tpu.vector_load %arg10[%get3A_223] {strides = array<i32>} : memref<2000xf32, #tpu.memory_space<vmem>>, vector<16xf32>,
        tpu.vector_store_idx %arg6[%get3A_222], %get3A_224 {add = true} : memref<10240xf32, #tpu.memory_space<vmem>>[vector<16xi32>], vector<16xf32>,
        tpu.vector_store_idx %arg7[%get3A_222], %broadcast_in_dim3A_3 {add = true} : memref<10240xf32, #tpu.memory_space<vmem>>[vector<16xi32>], vector<16xf32>,
        %mul3A_225 = arith.constant 25 : i32
        %mul3A_226 = arith.muli %scan3A_164, %mul3A_225 : i32
        %add3A_227 = arith.constant 6 : i32
        %add3A_228 = arith.addi %mul3A_226, %add3A_227 : i32
        %mul3A_229 = arith.constant 16 : i32
        %mul3A_230 = arith.muli %add3A_228, %mul3A_229 : i32
        %get3A_231 = arith.index_cast %mul3A_230 : i32 to index
        %get3A_232 = tpu.vector_load %arg8[%get3A_231] {strides = array<i32>} : memref<2000xi32, #tpu.memory_space<vmem>>, vector<16xi32>,
        %get3A_233 = arith.index_cast %mul3A_230 : i32 to index
        %get3A_234 = tpu.vector_load %arg10[%get3A_233] {strides = array<i32>} : memref<2000xf32, #tpu.memory_space<vmem>>, vector<16xf32>,
        tpu.vector_store_idx %arg6[%get3A_232], %get3A_234 {add = true} : memref<10240xf32, #tpu.memory_space<vmem>>[vector<16xi32>], vector<16xf32>,
        tpu.vector_store_idx %arg7[%get3A_232], %broadcast_in_dim3A_3 {add = true} : memref<10240xf32, #tpu.memory_space<vmem>>[vector<16xi32>], vector<16xf32>,
        %mul3A_235 = arith.constant 25 : i32
        %mul3A_236 = arith.muli %scan3A_164, %mul3A_235 : i32
        %add3A_237 = arith.constant 7 : i32
        %add3A_238 = arith.addi %mul3A_236, %add3A_237 : i32
        %mul3A_239 = arith.constant 16 : i32
        %mul3A_240 = arith.muli %add3A_238, %mul3A_239 : i32
        %get3A_241 = arith.index_cast %mul3A_240 : i32 to index
        %get3A_242 = tpu.vector_load %arg8[%get3A_241] {strides = array<i32>} : memref<2000xi32, #tpu.memory_space<vmem>>, vector<16xi32>,
        %get3A_243 = arith.index_cast %mul3A_240 : i32 to index
        %get3A_244 = tpu.vector_load %arg10[%get3A_243] {strides = array<i32>} : memref<2000xf32, #tpu.memory_space<vmem>>, vector<16xf32>,
        tpu.vector_store_idx %arg6[%get3A_242], %get3A_244 {add = true} : memref<10240xf32, #tpu.memory_space<vmem>>[vector<16xi32>], vector<16xf32>,
        tpu.vector_store_idx %arg7[%get3A_242], %broadcast_in_dim3A_3 {add = true} : memref<10240xf32, #tpu.memory_space<vmem>>[vector<16xi32>], vector<16xf32>,
        %mul3A_245 = arith.constant 25 : i32
        %mul3A_246 = arith.muli %scan3A_164, %mul3A_245 : i32
        %add3A_247 = arith.constant 8 : i32
        %add3A_248 = arith.addi %mul3A_246, %add3A_247 : i32
        %mul3A_249 = arith.constant 16 : i32
        %mul3A_250 = arith.muli %add3A_248, %mul3A_249 : i32
        %get3A_251 = arith.index_cast %mul3A_250 : i32 to index
        %get3A_252 = tpu.vector_load %arg8[%get3A_251] {strides = array<i32>} : memref<2000xi32, #tpu.memory_space<vmem>>, vector<16xi32>,
        %get3A_253 = arith.index_cast %mul3A_250 : i32 to index
        %get3A_254 = tpu.vector_load %arg10[%get3A_253] {strides = array<i32>} : memref<2000xf32, #tpu.memory_space<vmem>>, vector<16xf32>,
        tpu.vector_store_idx %arg6[%get3A_252], %get3A_254 {add = true} : memref<10240xf32, #tpu.memory_space<vmem>>[vector<16xi32>], vector<16xf32>,
        tpu.vector_store_idx %arg7[%get3A_252], %broadcast_in_dim3A_3 {add = true} : memref<10240xf32, #tpu.memory_space<vmem>>[vector<16xi32>], vector<16xf32>,
        %mul3A_255 = arith.constant 25 : i32
        %mul3A_256 = arith.muli %scan3A_164, %mul3A_255 : i32
        %add3A_257 = arith.constant 9 : i32
        %add3A_258 = arith.addi %mul3A_256, %add3A_257 : i32
        %mul3A_259 = arith.constant 16 : i32
        %mul3A_260 = arith.muli %add3A_258, %mul3A_259 : i32
        %get3A_261 = arith.index_cast %mul3A_260 : i32 to index
        %get3A_262 = tpu.vector_load %arg8[%get3A_261] {strides = array<i32>} : memref<2000xi32, #tpu.memory_space<vmem>>, vector<16xi32>,
        %get3A_263 = arith.index_cast %mul3A_260 : i32 to index
        %get3A_264 = tpu.vector_load %arg10[%get3A_263] {strides = array<i32>} : memref<2000xf32, #tpu.memory_space<vmem>>, vector<16xf32>,
        tpu.vector_store_idx %arg6[%get3A_262], %get3A_264 {add = true} : memref<10240xf32, #tpu.memory_space<vmem>>[vector<16xi32>], vector<16xf32>,
        tpu.vector_store_idx %arg7[%get3A_262], %broadcast_in_dim3A_3 {add = true} : memref<10240xf32, #tpu.memory_space<vmem>>[vector<16xi32>], vector<16xf32>,
        %mul3A_265 = arith.constant 25 : i32
        %mul3A_266 = arith.muli %scan3A_164, %mul3A_265 : i32
        %add3A_267 = arith.constant 10 : i32
        %add3A_268 = arith.addi %mul3A_266, %add3A_267 : i32
        %mul3A_269 = arith.constant 16 : i32
        %mul3A_270 = arith.muli %add3A_268, %mul3A_269 : i32
        %get3A_271 = arith.index_cast %mul3A_270 : i32 to index
        %get3A_272 = tpu.vector_load %arg8[%get3A_271] {strides = array<i32>} : memref<2000xi32, #tpu.memory_space<vmem>>, vector<16xi32>,
        %get3A_273 = arith.index_cast %mul3A_270 : i32 to index
        %get3A_274 = tpu.vector_load %arg10[%get3A_273] {strides = array<i32>} : memref<2000xf32, #tpu.memory_space<vmem>>, vector<16xf32>,
        tpu.vector_store_idx %arg6[%get3A_272], %get3A_274 {add = true} : memref<10240xf32, #tpu.memory_space<vmem>>[vector<16xi32>], vector<16xf32>,
        tpu.vector_store_idx %arg7[%get3A_272], %broadcast_in_dim3A_3 {add = true} : memref<10240xf32, #tpu.memory_space<vmem>>[vector<16xi32>], vector<16xf32>,
        %mul3A_275 = arith.constant 25 : i32
        %mul3A_276 = arith.muli %scan3A_164, %mul3A_275 : i32
        %add3A_277 = arith.constant 11 : i32
        %add3A_278 = arith.addi %mul3A_276, %add3A_277 : i32
        %mul3A_279 = arith.constant 16 : i32
        %mul3A_280 = arith.muli %add3A_278, %mul3A_279 : i32
        %get3A_281 = arith.index_cast %mul3A_280 : i32 to index
        %get3A_282 = tpu.vector_load %arg8[%get3A_281] {strides = array<i32>} : memref<2000xi32, #tpu.memory_space<vmem>>, vector<16xi32>,
        %get3A_283 = arith.index_cast %mul3A_280 : i32 to index
        %get3A_284 = tpu.vector_load %arg10[%get3A_283] {strides = array<i32>} : memref<2000xf32, #tpu.memory_space<vmem>>, vector<16xf32>,
        tpu.vector_store_idx %arg6[%get3A_282], %get3A_284 {add = true} : memref<10240xf32, #tpu.memory_space<vmem>>[vector<16xi32>], vector<16xf32>,
        tpu.vector_store_idx %arg7[%get3A_282], %broadcast_in_dim3A_3 {add = true} : memref<10240xf32, #tpu.memory_space<vmem>>[vector<16xi32>], vector<16xf32>,
        %mul3A_285 = arith.constant 25 : i32
        %mul3A_286 = arith.muli %scan3A_164, %mul3A_285 : i32
        %add3A_287 = arith.constant 12 : i32
        %add3A_288 = arith.addi %mul3A_286, %add3A_287 : i32
        %mul3A_289 = arith.constant 16 : i32
        %mul3A_290 = arith.muli %add3A_288, %mul3A_289 : i32
        %get3A_291 = arith.index_cast %mul3A_290 : i32 to index
        %get3A_292 = tpu.vector_load %arg8[%get3A_291] {strides = array<i32>} : memref<2000xi32, #tpu.memory_space<vmem>>, vector<16xi32>,
        %get3A_293 = arith.index_cast %mul3A_290 : i32 to index
        %get3A_294 = tpu.vector_load %arg10[%get3A_293] {strides = array<i32>} : memref<2000xf32, #tpu.memory_space<vmem>>, vector<16xf32>,
        tpu.vector_store_idx %arg6[%get3A_292], %get3A_294 {add = true} : memref<10240xf32, #tpu.memory_space<vmem>>[vector<16xi32>], vector<16xf32>,
        tpu.vector_store_idx %arg7[%get3A_292], %broadcast_in_dim3A_3 {add = true} : memref<10240xf32, #tpu.memory_space<vmem>>[vector<16xi32>], vector<16xf32>,
        %mul3A_295 = arith.constant 25 : i32
        %mul3A_296 = arith.muli %scan3A_164, %mul3A_295 : i32
        %add3A_297 = arith.constant 13 : i32
        %add3A_298 = arith.addi %mul3A_296, %add3A_297 : i32
        %mul3A_299 = arith.constant 16 : i32
        %mul3A_300 = arith.muli %add3A_298, %mul3A_299 : i32
        %get3A_301 = arith.index_cast %mul3A_300 : i32 to index
        %get3A_302 = tpu.vector_load %arg8[%get3A_301] {strides = array<i32>} : memref<2000xi32, #tpu.memory_space<vmem>>, vector<16xi32>,
        %get3A_303 = arith.index_cast %mul3A_300 : i32 to index
        %get3A_304 = tpu.vector_load %arg10[%get3A_303] {strides = array<i32>} : memref<2000xf32, #tpu.memory_space<vmem>>, vector<16xf32>,
        tpu.vector_store_idx %arg6[%get3A_302], %get3A_304 {add = true} : memref<10240xf32, #tpu.memory_space<vmem>>[vector<16xi32>], vector<16xf32>,
        tpu.vector_store_idx %arg7[%get3A_302], %broadcast_in_dim3A_3 {add = true} : memref<10240xf32, #tpu.memory_space<vmem>>[vector<16xi32>], vector<16xf32>,
        %mul3A_305 = arith.constant 25 : i32
        %mul3A_306 = arith.muli %scan3A_164, %mul3A_305 : i32
        %add3A_307 = arith.constant 14 : i32
        %add3A_308 = arith.addi %mul3A_306, %add3A_307 : i32
        %mul3A_309 = arith.constant 16 : i32
        %mul3A_310 = arith.muli %add3A_308, %mul3A_309 : i32
        %get3A_311 = arith.index_cast %mul3A_310 : i32 to index
        %get3A_312 = tpu.vector_load %arg8[%get3A_311] {strides = array<i32>} : memref<2000xi32, #tpu.memory_space<vmem>>, vector<16xi32>,
        %get3A_313 = arith.index_cast %mul3A_310 : i32 to index
        %get3A_314 = tpu.vector_load %arg10[%get3A_313] {strides = array<i32>} : memref<2000xf32, #tpu.memory_space<vmem>>, vector<16xf32>,
        tpu.vector_store_idx %arg6[%get3A_312], %get3A_314 {add = true} : memref<10240xf32, #tpu.memory_space<vmem>>[vector<16xi32>], vector<16xf32>,
        tpu.vector_store_idx %arg7[%get3A_312], %broadcast_in_dim3A_3 {add = true} : memref<10240xf32, #tpu.memory_space<vmem>>[vector<16xi32>], vector<16xf32>,
        %mul3A_315 = arith.constant 25 : i32
        %mul3A_316 = arith.muli %scan3A_164, %mul3A_315 : i32
        %add3A_317 = arith.constant 15 : i32
        %add3A_318 = arith.addi %mul3A_316, %add3A_317 : i32
        %mul3A_319 = arith.constant 16 : i32
        %mul3A_320 = arith.muli %add3A_318, %mul3A_319 : i32
        %get3A_321 = arith.index_cast %mul3A_320 : i32 to index
        %get3A_322 = tpu.vector_load %arg8[%get3A_321] {strides = array<i32>} : memref<2000xi32, #tpu.memory_space<vmem>>, vector<16xi32>,
        %get3A_323 = arith.index_cast %mul3A_320 : i32 to index
        %get3A_324 = tpu.vector_load %arg10[%get3A_323] {strides = array<i32>} : memref<2000xf32, #tpu.memory_space<vmem>>, vector<16xf32>,
        tpu.vector_store_idx %arg6[%get3A_322], %get3A_324 {add = true} : memref<10240xf32, #tpu.memory_space<vmem>>[vector<16xi32>], vector<16xf32>,
        tpu.vector_store_idx %arg7[%get3A_322], %broadcast_in_dim3A_3 {add = true} : memref<10240xf32, #tpu.memory_space<vmem>>[vector<16xi32>], vector<16xf32>,
        %mul3A_325 = arith.constant 25 : i32
        %mul3A_326 = arith.muli %scan3A_164, %mul3A_325 : i32
        %add3A_327 = arith.constant 16 : i32
        %add3A_328 = arith.addi %mul3A_326, %add3A_327 : i32
        %mul3A_329 = arith.constant 16 : i32
        %mul3A_330 = arith.muli %add3A_328, %mul3A_329 : i32
        %get3A_331 = arith.index_cast %mul3A_330 : i32 to index
        %get3A_332 = tpu.vector_load %arg8[%get3A_331] {strides = array<i32>} : memref<2000xi32, #tpu.memory_space<vmem>>, vector<16xi32>,
        %get3A_333 = arith.index_cast %mul3A_330 : i32 to index
        %get3A_334 = tpu.vector_load %arg10[%get3A_333] {strides = array<i32>} : memref<2000xf32, #tpu.memory_space<vmem>>, vector<16xf32>,
        tpu.vector_store_idx %arg6[%get3A_332], %get3A_334 {add = true} : memref<10240xf32, #tpu.memory_space<vmem>>[vector<16xi32>], vector<16xf32>,
        tpu.vector_store_idx %arg7[%get3A_332], %broadcast_in_dim3A_3 {add = true} : memref<10240xf32, #tpu.memory_space<vmem>>[vector<16xi32>], vector<16xf32>,
        %mul3A_335 = arith.constant 25 : i32
        %mul3A_336 = arith.muli %scan3A_164, %mul3A_335 : i32
        %add3A_337 = arith.constant 17 : i32
        %add3A_338 = arith.addi %mul3A_336, %add3A_337 : i32
        %mul3A_339 = arith.constant 16 : i32
        %mul3A_340 = arith.muli %add3A_338, %mul3A_339 : i32
        %get3A_341 = arith.index_cast %mul3A_340 : i32 to index
        %get3A_342 = tpu.vector_load %arg8[%get3A_341] {strides = array<i32>} : memref<2000xi32, #tpu.memory_space<vmem>>, vector<16xi32>,
        %get3A_343 = arith.index_cast %mul3A_340 : i32 to index
        %get3A_344 = tpu.vector_load %arg10[%get3A_343] {strides = array<i32>} : memref<2000xf32, #tpu.memory_space<vmem>>, vector<16xf32>,
        tpu.vector_store_idx %arg6[%get3A_342], %get3A_344 {add = true} : memref<10240xf32, #tpu.memory_space<vmem>>[vector<16xi32>], vector<16xf32>,
        tpu.vector_store_idx %arg7[%get3A_342], %broadcast_in_dim3A_3 {add = true} : memref<10240xf32, #tpu.memory_space<vmem>>[vector<16xi32>], vector<16xf32>,
        %mul3A_345 = arith.constant 25 : i32
        %mul3A_346 = arith.muli %scan3A_164, %mul3A_345 : i32
        %add3A_347 = arith.constant 18 : i32
        %add3A_348 = arith.addi %mul3A_346, %add3A_347 : i32
        %mul3A_349 = arith.constant 16 : i32
        %mul3A_350 = arith.muli %add3A_348, %mul3A_349 : i32
        %get3A_351 = arith.index_cast %mul3A_350 : i32 to index
        %get3A_352 = tpu.vector_load %arg8[%get3A_351] {strides = array<i32>} : memref<2000xi32, #tpu.memory_space<vmem>>, vector<16xi32>,
        %get3A_353 = arith.index_cast %mul3A_350 : i32 to index
        %get3A_354 = tpu.vector_load %arg10[%get3A_353] {strides = array<i32>} : memref<2000xf32, #tpu.memory_space<vmem>>, vector<16xf32>,
        tpu.vector_store_idx %arg6[%get3A_352], %get3A_354 {add = true} : memref<10240xf32, #tpu.memory_space<vmem>>[vector<16xi32>], vector<16xf32>,
        tpu.vector_store_idx %arg7[%get3A_352], %broadcast_in_dim3A_3 {add = true} : memref<10240xf32, #tpu.memory_space<vmem>>[vector<16xi32>], vector<16xf32>,
        %mul3A_355 = arith.constant 25 : i32
        %mul3A_356 = arith.muli %scan3A_164, %mul3A_355 : i32
        %add3A_357 = arith.constant 19 : i32
        %add3A_358 = arith.addi %mul3A_356, %add3A_357 : i32
        %mul3A_359 = arith.constant 16 : i32
        %mul3A_360 = arith.muli %add3A_358, %mul3A_359 : i32
        %get3A_361 = arith.index_cast %mul3A_360 : i32 to index
        %get3A_362 = tpu.vector_load %arg8[%get3A_361] {strides = array<i32>} : memref<2000xi32, #tpu.memory_space<vmem>>, vector<16xi32>,
        %get3A_363 = arith.index_cast %mul3A_360 : i32 to index
        %get3A_364 = tpu.vector_load %arg10[%get3A_363] {strides = array<i32>} : memref<2000xf32, #tpu.memory_space<vmem>>, vector<16xf32>,
        tpu.vector_store_idx %arg6[%get3A_362], %get3A_364 {add = true} : memref<10240xf32, #tpu.memory_space<vmem>>[vector<16xi32>], vector<16xf32>,
        tpu.vector_store_idx %arg7[%get3A_362], %broadcast_in_dim3A_3 {add = true} : memref<10240xf32, #tpu.memory_space<vmem>>[vector<16xi32>], vector<16xf32>,
        %mul3A_365 = arith.constant 25 : i32
        %mul3A_366 = arith.muli %scan3A_164, %mul3A_365 : i32
        %add3A_367 = arith.constant 20 : i32
        %add3A_368 = arith.addi %mul3A_366, %add3A_367 : i32
        %mul3A_369 = arith.constant 16 : i32
        %mul3A_370 = arith.muli %add3A_368, %mul3A_369 : i32
        %get3A_371 = arith.index_cast %mul3A_370 : i32 to index
        %get3A_372 = tpu.vector_load %arg8[%get3A_371] {strides = array<i32>} : memref<2000xi32, #tpu.memory_space<vmem>>, vector<16xi32>,
        %get3A_373 = arith.index_cast %mul3A_370 : i32 to index
        %get3A_374 = tpu.vector_load %arg10[%get3A_373] {strides = array<i32>} : memref<2000xf32, #tpu.memory_space<vmem>>, vector<16xf32>,
        tpu.vector_store_idx %arg6[%get3A_372], %get3A_374 {add = true} : memref<10240xf32, #tpu.memory_space<vmem>>[vector<16xi32>], vector<16xf32>,
        tpu.vector_store_idx %arg7[%get3A_372], %broadcast_in_dim3A_3 {add = true} : memref<10240xf32, #tpu.memory_space<vmem>>[vector<16xi32>], vector<16xf32>,
        %mul3A_375 = arith.constant 25 : i32
        %mul3A_376 = arith.muli %scan3A_164, %mul3A_375 : i32
        %add3A_377 = arith.constant 21 : i32
        %add3A_378 = arith.addi %mul3A_376, %add3A_377 : i32
        %mul3A_379 = arith.constant 16 : i32
        %mul3A_380 = arith.muli %add3A_378, %mul3A_379 : i32
        %get3A_381 = arith.index_cast %mul3A_380 : i32 to index
        %get3A_382 = tpu.vector_load %arg8[%get3A_381] {strides = array<i32>} : memref<2000xi32, #tpu.memory_space<vmem>>, vector<16xi32>,
        %get3A_383 = arith.index_cast %mul3A_380 : i32 to index
        %get3A_384 = tpu.vector_load %arg10[%get3A_383] {strides = array<i32>} : memref<2000xf32, #tpu.memory_space<vmem>>, vector<16xf32>,
        tpu.vector_store_idx %arg6[%get3A_382], %get3A_384 {add = true} : memref<10240xf32, #tpu.memory_space<vmem>>[vector<16xi32>], vector<16xf32>,
        tpu.vector_store_idx %arg7[%get3A_382], %broadcast_in_dim3A_3 {add = true} : memref<10240xf32, #tpu.memory_space<vmem>>[vector<16xi32>], vector<16xf32>,
        %mul3A_385 = arith.constant 25 : i32
        %mul3A_386 = arith.muli %scan3A_164, %mul3A_385 : i32
        %add3A_387 = arith.constant 22 : i32
        %add3A_388 = arith.addi %mul3A_386, %add3A_387 : i32
        %mul3A_389 = arith.constant 16 : i32
        %mul3A_390 = arith.muli %add3A_388, %mul3A_389 : i32
        %get3A_391 = arith.index_cast %mul3A_390 : i32 to index
        %get3A_392 = tpu.vector_load %arg8[%get3A_391] {strides = array<i32>} : memref<2000xi32, #tpu.memory_space<vmem>>, vector<16xi32>,
        %get3A_393 = arith.index_cast %mul3A_390 : i32 to index
        %get3A_394 = tpu.vector_load %arg10[%get3A_393] {strides = array<i32>} : memref<2000xf32, #tpu.memory_space<vmem>>, vector<16xf32>,
        tpu.vector_store_idx %arg6[%get3A_392], %get3A_394 {add = true} : memref<10240xf32, #tpu.memory_space<vmem>>[vector<16xi32>], vector<16xf32>,
        tpu.vector_store_idx %arg7[%get3A_392], %broadcast_in_dim3A_3 {add = true} : memref<10240xf32, #tpu.memory_space<vmem>>[vector<16xi32>], vector<16xf32>,
        %mul3A_395 = arith.constant 25 : i32
        %mul3A_396 = arith.muli %scan3A_164, %mul3A_395 : i32
        %add3A_397 = arith.constant 23 : i32
        %add3A_398 = arith.addi %mul3A_396, %add3A_397 : i32
        %mul3A_399 = arith.constant 16 : i32
        %mul3A_400 = arith.muli %add3A_398, %mul3A_399 : i32
        %get3A_401 = arith.index_cast %mul3A_400 : i32 to index
        %get3A_402 = tpu.vector_load %arg8[%get3A_401] {strides = array<i32>} : memref<2000xi32, #tpu.memory_space<vmem>>, vector<16xi32>,
        %get3A_403 = arith.index_cast %mul3A_400 : i32 to index
        %get3A_404 = tpu.vector_load %arg10[%get3A_403] {strides = array<i32>} : memref<2000xf32, #tpu.memory_space<vmem>>, vector<16xf32>,
        tpu.vector_store_idx %arg6[%get3A_402], %get3A_404 {add = true} : memref<10240xf32, #tpu.memory_space<vmem>>[vector<16xi32>], vector<16xf32>,
        tpu.vector_store_idx %arg7[%get3A_402], %broadcast_in_dim3A_3 {add = true} : memref<10240xf32, #tpu.memory_space<vmem>>[vector<16xi32>], vector<16xf32>,
        %mul3A_405 = arith.constant 25 : i32
        %mul3A_406 = arith.muli %scan3A_164, %mul3A_405 : i32
        %add3A_407 = arith.constant 24 : i32
        %add3A_408 = arith.addi %mul3A_406, %add3A_407 : i32
        %mul3A_409 = arith.constant 16 : i32
        %mul3A_410 = arith.muli %add3A_408, %mul3A_409 : i32
        %get3A_411 = arith.index_cast %mul3A_410 : i32 to index
        %get3A_412 = tpu.vector_load %arg8[%get3A_411] {strides = array<i32>} : memref<2000xi32, #tpu.memory_space<vmem>>, vector<16xi32>,
        %get3A_413 = arith.index_cast %mul3A_410 : i32 to index
        %get3A_414 = tpu.vector_load %arg10[%get3A_413] {strides = array<i32>} : memref<2000xf32, #tpu.memory_space<vmem>>, vector<16xf32>,
        tpu.vector_store_idx %arg6[%get3A_412], %get3A_414 {add = true} : memref<10240xf32, #tpu.memory_space<vmem>>[vector<16xi32>], vector<16xf32>,
        tpu.vector_store_idx %arg7[%get3A_412], %broadcast_in_dim3A_3 {add = true} : memref<10240xf32, #tpu.memory_space<vmem>>[vector<16xi32>], vector<16xf32>,
        %scan3A_415 = arith.constant 0 : i32
        scf.yield %scan3A_415 : i32
      }
      %scan3A_134 = arith.constant 5 : i32
      %add3A_135 = arith.constant 2 : i32
      %add3A_136 = arith.addi %mul3A_119, %add3A_135 : i32
      %mul3A_137 = arith.constant 2000 : i32
      %mul3A_138 = arith.muli %add3A_136, %mul3A_137 : i32
      %add3A_139 = arith.addi %mul3A_11, %mul3A_138 : i32
      %dma_start3A_140 = tpu.memref_slice %arg3[%add3A_139] : memref<1600000xi32, #tpu.memory_space<hbm>> -> memref<2000xi32, #tpu.memory_space<hbm>>
      %dma_start3A_141 = tpu.memref_slice %arg3[%add3A_139] : memref<1600000xi32, #tpu.memory_space<hbm>> -> memref<2000xi32, #tpu.memory_space<hbm>>
      tpu.enqueue_dma source(%dma_start3A_141 : memref<2000xi32, #tpu.memory_space<hbm>>) target(%arg8 : memref<2000xi32, #tpu.memory_space<vmem>>) target_semaphore(%arg18 : memref<!tpu.dma_semaphore, #tpu.memory_space<semaphore_mem>>)
      %dma_start3A_142 = tpu.memref_slice %arg2[%add3A_139] : memref<1600000xf32, #tpu.memory_space<hbm>> -> memref<2000xf32, #tpu.memory_space<hbm>>
      %dma_start3A_143 = tpu.memref_slice %arg2[%add3A_139] : memref<1600000xf32, #tpu.memory_space<hbm>> -> memref<2000xf32, #tpu.memory_space<hbm>>
      tpu.enqueue_dma source(%dma_start3A_143 : memref<2000xf32, #tpu.memory_space<hbm>>) target(%arg10 : memref<2000xf32, #tpu.memory_space<vmem>>) target_semaphore(%arg18 : memref<!tpu.dma_semaphore, #tpu.memory_space<semaphore_mem>>)
      %dma_wait3A_144 = arith.constant 0 : i32
      %dma_wait3A_145 = tpu.memref_slice %arg3[%dma_wait3A_144] : memref<1600000xi32, #tpu.memory_space<hbm>> -> memref<2000xi32, #tpu.memory_space<hbm>>
      %dma_wait3A_146 = arith.constant 0 : i32
      %dma_wait3A_147 = tpu.memref_slice %arg3[%dma_wait3A_146] : memref<1600000xi32, #tpu.memory_space<hbm>> -> memref<2000xi32, #tpu.memory_space<hbm>>
      tpu.wait_dma2 semaphore(%arg19 : memref<!tpu.dma_semaphore, #tpu.memory_space<semaphore_mem>>) src(%dma_wait3A_147 : memref<2000xi32, #tpu.memory_space<hbm>>) dst(%arg9 : memref<2000xi32, #tpu.memory_space<vmem>>)
      %dma_wait3A_148 = arith.constant 0 : i32
      %dma_wait3A_149 = tpu.memref_slice %arg2[%dma_wait3A_148] : memref<1600000xf32, #tpu.memory_space<hbm>> -> memref<2000xf32, #tpu.memory_space<hbm>>
      %dma_wait3A_150 = arith.constant 0 : i32
      %dma_wait3A_151 = tpu.memref_slice %arg2[%dma_wait3A_150] : memref<1600000xf32, #tpu.memory_space<hbm>> -> memref<2000xf32, #tpu.memory_space<hbm>>
      tpu.wait_dma2 semaphore(%arg19 : memref<!tpu.dma_semaphore, #tpu.memory_space<semaphore_mem>>) src(%dma_wait3A_151 : memref<2000xf32, #tpu.memory_space<hbm>>) dst(%arg11 : memref<2000xf32, #tpu.memory_space<vmem>>)
      %scan3A_152 = arith.constant 0 : i32
      %scan3A_153 = arith.constant 0 : i32
      %scan3A_154 = arith.constant 5 : i32
      %scan3A_155 = arith.addi %scan3A_153, %scan3A_154 : i32
      %scan3A_156 = arith.constant 1 : i32
      %scan3A_157 = scf.for %scan3A_164 = %scan3A_153 to %scan3A_155 step %scan3A_156 iter_args(%scan3A_165 = %scan3A_152) -> (i32)  : i32 {
        %mul3A_166 = arith.constant 25 : i32
        %mul3A_167 = arith.muli %scan3A_164, %mul3A_166 : i32
        %add3A_168 = arith.constant 0 : i32
        %add3A_169 = arith.addi %mul3A_167, %add3A_168 : i32
        %mul3A_170 = arith.constant 16 : i32
        %mul3A_171 = arith.muli %add3A_169, %mul3A_170 : i32
        %get3A = arith.index_cast %mul3A_171 : i32 to index
        %get3A_172 = tpu.vector_load %arg9[%get3A] {strides = array<i32>} : memref<2000xi32, #tpu.memory_space<vmem>>, vector<16xi32>,
        %get3A_173 = arith.index_cast %mul3A_171 : i32 to index
        %get3A_174 = tpu.vector_load %arg11[%get3A_173] {strides = array<i32>} : memref<2000xf32, #tpu.memory_space<vmem>>, vector<16xf32>,
        tpu.vector_store_idx %arg6[%get3A_172], %get3A_174 {add = true} : memref<10240xf32, #tpu.memory_space<vmem>>[vector<16xi32>], vector<16xf32>,
        tpu.vector_store_idx %arg7[%get3A_172], %broadcast_in_dim3A_3 {add = true} : memref<10240xf32, #tpu.memory_space<vmem>>[vector<16xi32>], vector<16xf32>,
        %mul3A_175 = arith.constant 25 : i32
        %mul3A_176 = arith.muli %scan3A_164, %mul3A_175 : i32
        %add3A_177 = arith.constant 1 : i32
        %add3A_178 = arith.addi %mul3A_176, %add3A_177 : i32
        %mul3A_179 = arith.constant 16 : i32
        %mul3A_180 = arith.muli %add3A_178, %mul3A_179 : i32
        %get3A_181 = arith.index_cast %mul3A_180 : i32 to index
        %get3A_182 = tpu.vector_load %arg9[%get3A_181] {strides = array<i32>} : memref<2000xi32, #tpu.memory_space<vmem>>, vector<16xi32>,
        %get3A_183 = arith.index_cast %mul3A_180 : i32 to index
        %get3A_184 = tpu.vector_load %arg11[%get3A_183] {strides = array<i32>} : memref<2000xf32, #tpu.memory_space<vmem>>, vector<16xf32>,
        tpu.vector_store_idx %arg6[%get3A_182], %get3A_184 {add = true} : memref<10240xf32, #tpu.memory_space<vmem>>[vector<16xi32>], vector<16xf32>,
        tpu.vector_store_idx %arg7[%get3A_182], %broadcast_in_dim3A_3 {add = true} : memref<10240xf32, #tpu.memory_space<vmem>>[vector<16xi32>], vector<16xf32>,
        %mul3A_185 = arith.constant 25 : i32
        %mul3A_186 = arith.muli %scan3A_164, %mul3A_185 : i32
        %add3A_187 = arith.constant 2 : i32
        %add3A_188 = arith.addi %mul3A_186, %add3A_187 : i32
        %mul3A_189 = arith.constant 16 : i32
        %mul3A_190 = arith.muli %add3A_188, %mul3A_189 : i32
        %get3A_191 = arith.index_cast %mul3A_190 : i32 to index
        %get3A_192 = tpu.vector_load %arg9[%get3A_191] {strides = array<i32>} : memref<2000xi32, #tpu.memory_space<vmem>>, vector<16xi32>,
        %get3A_193 = arith.index_cast %mul3A_190 : i32 to index
        %get3A_194 = tpu.vector_load %arg11[%get3A_193] {strides = array<i32>} : memref<2000xf32, #tpu.memory_space<vmem>>, vector<16xf32>,
        tpu.vector_store_idx %arg6[%get3A_192], %get3A_194 {add = true} : memref<10240xf32, #tpu.memory_space<vmem>>[vector<16xi32>], vector<16xf32>,
        tpu.vector_store_idx %arg7[%get3A_192], %broadcast_in_dim3A_3 {add = true} : memref<10240xf32, #tpu.memory_space<vmem>>[vector<16xi32>], vector<16xf32>,
        %mul3A_195 = arith.constant 25 : i32
        %mul3A_196 = arith.muli %scan3A_164, %mul3A_195 : i32
        %add3A_197 = arith.constant 3 : i32
        %add3A_198 = arith.addi %mul3A_196, %add3A_197 : i32
        %mul3A_199 = arith.constant 16 : i32
        %mul3A_200 = arith.muli %add3A_198, %mul3A_199 : i32
        %get3A_201 = arith.index_cast %mul3A_200 : i32 to index
        %get3A_202 = tpu.vector_load %arg9[%get3A_201] {strides = array<i32>} : memref<2000xi32, #tpu.memory_space<vmem>>, vector<16xi32>,
        %get3A_203 = arith.index_cast %mul3A_200 : i32 to index
        %get3A_204 = tpu.vector_load %arg11[%get3A_203] {strides = array<i32>} : memref<2000xf32, #tpu.memory_space<vmem>>, vector<16xf32>,
        tpu.vector_store_idx %arg6[%get3A_202], %get3A_204 {add = true} : memref<10240xf32, #tpu.memory_space<vmem>>[vector<16xi32>], vector<16xf32>,
        tpu.vector_store_idx %arg7[%get3A_202], %broadcast_in_dim3A_3 {add = true} : memref<10240xf32, #tpu.memory_space<vmem>>[vector<16xi32>], vector<16xf32>,
        %mul3A_205 = arith.constant 25 : i32
        %mul3A_206 = arith.muli %scan3A_164, %mul3A_205 : i32
        %add3A_207 = arith.constant 4 : i32
        %add3A_208 = arith.addi %mul3A_206, %add3A_207 : i32
        %mul3A_209 = arith.constant 16 : i32
        %mul3A_210 = arith.muli %add3A_208, %mul3A_209 : i32
        %get3A_211 = arith.index_cast %mul3A_210 : i32 to index
        %get3A_212 = tpu.vector_load %arg9[%get3A_211] {strides = array<i32>} : memref<2000xi32, #tpu.memory_space<vmem>>, vector<16xi32>,
        %get3A_213 = arith.index_cast %mul3A_210 : i32 to index
        %get3A_214 = tpu.vector_load %arg11[%get3A_213] {strides = array<i32>} : memref<2000xf32, #tpu.memory_space<vmem>>, vector<16xf32>,
        tpu.vector_store_idx %arg6[%get3A_212], %get3A_214 {add = true} : memref<10240xf32, #tpu.memory_space<vmem>>[vector<16xi32>], vector<16xf32>,
        tpu.vector_store_idx %arg7[%get3A_212], %broadcast_in_dim3A_3 {add = true} : memref<10240xf32, #tpu.memory_space<vmem>>[vector<16xi32>], vector<16xf32>,
        %mul3A_215 = arith.constant 25 : i32
        %mul3A_216 = arith.muli %scan3A_164, %mul3A_215 : i32
        %add3A_217 = arith.constant 5 : i32
        %add3A_218 = arith.addi %mul3A_216, %add3A_217 : i32
        %mul3A_219 = arith.constant 16 : i32
        %mul3A_220 = arith.muli %add3A_218, %mul3A_219 : i32
        %get3A_221 = arith.index_cast %mul3A_220 : i32 to index
        %get3A_222 = tpu.vector_load %arg9[%get3A_221] {strides = array<i32>} : memref<2000xi32, #tpu.memory_space<vmem>>, vector<16xi32>,
        %get3A_223 = arith.index_cast %mul3A_220 : i32 to index
        %get3A_224 = tpu.vector_load %arg11[%get3A_223] {strides = array<i32>} : memref<2000xf32, #tpu.memory_space<vmem>>, vector<16xf32>,
        tpu.vector_store_idx %arg6[%get3A_222], %get3A_224 {add = true} : memref<10240xf32, #tpu.memory_space<vmem>>[vector<16xi32>], vector<16xf32>,
        tpu.vector_store_idx %arg7[%get3A_222], %broadcast_in_dim3A_3 {add = true} : memref<10240xf32, #tpu.memory_space<vmem>>[vector<16xi32>], vector<16xf32>,
        %mul3A_225 = arith.constant 25 : i32
        %mul3A_226 = arith.muli %scan3A_164, %mul3A_225 : i32
        %add3A_227 = arith.constant 6 : i32
        %add3A_228 = arith.addi %mul3A_226, %add3A_227 : i32
        %mul3A_229 = arith.constant 16 : i32
        %mul3A_230 = arith.muli %add3A_228, %mul3A_229 : i32
        %get3A_231 = arith.index_cast %mul3A_230 : i32 to index
        %get3A_232 = tpu.vector_load %arg9[%get3A_231] {strides = array<i32>} : memref<2000xi32, #tpu.memory_space<vmem>>, vector<16xi32>,
        %get3A_233 = arith.index_cast %mul3A_230 : i32 to index
        %get3A_234 = tpu.vector_load %arg11[%get3A_233] {strides = array<i32>} : memref<2000xf32, #tpu.memory_space<vmem>>, vector<16xf32>,
        tpu.vector_store_idx %arg6[%get3A_232], %get3A_234 {add = true} : memref<10240xf32, #tpu.memory_space<vmem>>[vector<16xi32>], vector<16xf32>,
        tpu.vector_store_idx %arg7[%get3A_232], %broadcast_in_dim3A_3 {add = true} : memref<10240xf32, #tpu.memory_space<vmem>>[vector<16xi32>], vector<16xf32>,
        %mul3A_235 = arith.constant 25 : i32
        %mul3A_236 = arith.muli %scan3A_164, %mul3A_235 : i32
        %add3A_237 = arith.constant 7 : i32
        %add3A_238 = arith.addi %mul3A_236, %add3A_237 : i32
        %mul3A_239 = arith.constant 16 : i32
        %mul3A_240 = arith.muli %add3A_238, %mul3A_239 : i32
        %get3A_241 = arith.index_cast %mul3A_240 : i32 to index
        %get3A_242 = tpu.vector_load %arg9[%get3A_241] {strides = array<i32>} : memref<2000xi32, #tpu.memory_space<vmem>>, vector<16xi32>,
        %get3A_243 = arith.index_cast %mul3A_240 : i32 to index
        %get3A_244 = tpu.vector_load %arg11[%get3A_243] {strides = array<i32>} : memref<2000xf32, #tpu.memory_space<vmem>>, vector<16xf32>,
        tpu.vector_store_idx %arg6[%get3A_242], %get3A_244 {add = true} : memref<10240xf32, #tpu.memory_space<vmem>>[vector<16xi32>], vector<16xf32>,
        tpu.vector_store_idx %arg7[%get3A_242], %broadcast_in_dim3A_3 {add = true} : memref<10240xf32, #tpu.memory_space<vmem>>[vector<16xi32>], vector<16xf32>,
        %mul3A_245 = arith.constant 25 : i32
        %mul3A_246 = arith.muli %scan3A_164, %mul3A_245 : i32
        %add3A_247 = arith.constant 8 : i32
        %add3A_248 = arith.addi %mul3A_246, %add3A_247 : i32
        %mul3A_249 = arith.constant 16 : i32
        %mul3A_250 = arith.muli %add3A_248, %mul3A_249 : i32
        %get3A_251 = arith.index_cast %mul3A_250 : i32 to index
        %get3A_252 = tpu.vector_load %arg9[%get3A_251] {strides = array<i32>} : memref<2000xi32, #tpu.memory_space<vmem>>, vector<16xi32>,
        %get3A_253 = arith.index_cast %mul3A_250 : i32 to index
        %get3A_254 = tpu.vector_load %arg11[%get3A_253] {strides = array<i32>} : memref<2000xf32, #tpu.memory_space<vmem>>, vector<16xf32>,
        tpu.vector_store_idx %arg6[%get3A_252], %get3A_254 {add = true} : memref<10240xf32, #tpu.memory_space<vmem>>[vector<16xi32>], vector<16xf32>,
        tpu.vector_store_idx %arg7[%get3A_252], %broadcast_in_dim3A_3 {add = true} : memref<10240xf32, #tpu.memory_space<vmem>>[vector<16xi32>], vector<16xf32>,
        %mul3A_255 = arith.constant 25 : i32
        %mul3A_256 = arith.muli %scan3A_164, %mul3A_255 : i32
        %add3A_257 = arith.constant 9 : i32
        %add3A_258 = arith.addi %mul3A_256, %add3A_257 : i32
        %mul3A_259 = arith.constant 16 : i32
        %mul3A_260 = arith.muli %add3A_258, %mul3A_259 : i32
        %get3A_261 = arith.index_cast %mul3A_260 : i32 to index
        %get3A_262 = tpu.vector_load %arg9[%get3A_261] {strides = array<i32>} : memref<2000xi32, #tpu.memory_space<vmem>>, vector<16xi32>,
        %get3A_263 = arith.index_cast %mul3A_260 : i32 to index
        %get3A_264 = tpu.vector_load %arg11[%get3A_263] {strides = array<i32>} : memref<2000xf32, #tpu.memory_space<vmem>>, vector<16xf32>,
        tpu.vector_store_idx %arg6[%get3A_262], %get3A_264 {add = true} : memref<10240xf32, #tpu.memory_space<vmem>>[vector<16xi32>], vector<16xf32>,
        tpu.vector_store_idx %arg7[%get3A_262], %broadcast_in_dim3A_3 {add = true} : memref<10240xf32, #tpu.memory_space<vmem>>[vector<16xi32>], vector<16xf32>,
        %mul3A_265 = arith.constant 25 : i32
        %mul3A_266 = arith.muli %scan3A_164, %mul3A_265 : i32
        %add3A_267 = arith.constant 10 : i32
        %add3A_268 = arith.addi %mul3A_266, %add3A_267 : i32
        %mul3A_269 = arith.constant 16 : i32
        %mul3A_270 = arith.muli %add3A_268, %mul3A_269 : i32
        %get3A_271 = arith.index_cast %mul3A_270 : i32 to index
        %get3A_272 = tpu.vector_load %arg9[%get3A_271] {strides = array<i32>} : memref<2000xi32, #tpu.memory_space<vmem>>, vector<16xi32>,
        %get3A_273 = arith.index_cast %mul3A_270 : i32 to index
        %get3A_274 = tpu.vector_load %arg11[%get3A_273] {strides = array<i32>} : memref<2000xf32, #tpu.memory_space<vmem>>, vector<16xf32>,
        tpu.vector_store_idx %arg6[%get3A_272], %get3A_274 {add = true} : memref<10240xf32, #tpu.memory_space<vmem>>[vector<16xi32>], vector<16xf32>,
        tpu.vector_store_idx %arg7[%get3A_272], %broadcast_in_dim3A_3 {add = true} : memref<10240xf32, #tpu.memory_space<vmem>>[vector<16xi32>], vector<16xf32>,
        %mul3A_275 = arith.constant 25 : i32
        %mul3A_276 = arith.muli %scan3A_164, %mul3A_275 : i32
        %add3A_277 = arith.constant 11 : i32
        %add3A_278 = arith.addi %mul3A_276, %add3A_277 : i32
        %mul3A_279 = arith.constant 16 : i32
        %mul3A_280 = arith.muli %add3A_278, %mul3A_279 : i32
        %get3A_281 = arith.index_cast %mul3A_280 : i32 to index
        %get3A_282 = tpu.vector_load %arg9[%get3A_281] {strides = array<i32>} : memref<2000xi32, #tpu.memory_space<vmem>>, vector<16xi32>,
        %get3A_283 = arith.index_cast %mul3A_280 : i32 to index
        %get3A_284 = tpu.vector_load %arg11[%get3A_283] {strides = array<i32>} : memref<2000xf32, #tpu.memory_space<vmem>>, vector<16xf32>,
        tpu.vector_store_idx %arg6[%get3A_282], %get3A_284 {add = true} : memref<10240xf32, #tpu.memory_space<vmem>>[vector<16xi32>], vector<16xf32>,
        tpu.vector_store_idx %arg7[%get3A_282], %broadcast_in_dim3A_3 {add = true} : memref<10240xf32, #tpu.memory_space<vmem>>[vector<16xi32>], vector<16xf32>,
        %mul3A_285 = arith.constant 25 : i32
        %mul3A_286 = arith.muli %scan3A_164, %mul3A_285 : i32
        %add3A_287 = arith.constant 12 : i32
        %add3A_288 = arith.addi %mul3A_286, %add3A_287 : i32
        %mul3A_289 = arith.constant 16 : i32
        %mul3A_290 = arith.muli %add3A_288, %mul3A_289 : i32
        %get3A_291 = arith.index_cast %mul3A_290 : i32 to index
        %get3A_292 = tpu.vector_load %arg9[%get3A_291] {strides = array<i32>} : memref<2000xi32, #tpu.memory_space<vmem>>, vector<16xi32>,
        %get3A_293 = arith.index_cast %mul3A_290 : i32 to index
        %get3A_294 = tpu.vector_load %arg11[%get3A_293] {strides = array<i32>} : memref<2000xf32, #tpu.memory_space<vmem>>, vector<16xf32>,
        tpu.vector_store_idx %arg6[%get3A_292], %get3A_294 {add = true} : memref<10240xf32, #tpu.memory_space<vmem>>[vector<16xi32>], vector<16xf32>,
        tpu.vector_store_idx %arg7[%get3A_292], %broadcast_in_dim3A_3 {add = true} : memref<10240xf32, #tpu.memory_space<vmem>>[vector<16xi32>], vector<16xf32>,
        %mul3A_295 = arith.constant 25 : i32
        %mul3A_296 = arith.muli %scan3A_164, %mul3A_295 : i32
        %add3A_297 = arith.constant 13 : i32
        %add3A_298 = arith.addi %mul3A_296, %add3A_297 : i32
        %mul3A_299 = arith.constant 16 : i32
        %mul3A_300 = arith.muli %add3A_298, %mul3A_299 : i32
        %get3A_301 = arith.index_cast %mul3A_300 : i32 to index
        %get3A_302 = tpu.vector_load %arg9[%get3A_301] {strides = array<i32>} : memref<2000xi32, #tpu.memory_space<vmem>>, vector<16xi32>,
        %get3A_303 = arith.index_cast %mul3A_300 : i32 to index
        %get3A_304 = tpu.vector_load %arg11[%get3A_303] {strides = array<i32>} : memref<2000xf32, #tpu.memory_space<vmem>>, vector<16xf32>,
        tpu.vector_store_idx %arg6[%get3A_302], %get3A_304 {add = true} : memref<10240xf32, #tpu.memory_space<vmem>>[vector<16xi32>], vector<16xf32>,
        tpu.vector_store_idx %arg7[%get3A_302], %broadcast_in_dim3A_3 {add = true} : memref<10240xf32, #tpu.memory_space<vmem>>[vector<16xi32>], vector<16xf32>,
        %mul3A_305 = arith.constant 25 : i32
        %mul3A_306 = arith.muli %scan3A_164, %mul3A_305 : i32
        %add3A_307 = arith.constant 14 : i32
        %add3A_308 = arith.addi %mul3A_306, %add3A_307 : i32
        %mul3A_309 = arith.constant 16 : i32
        %mul3A_310 = arith.muli %add3A_308, %mul3A_309 : i32
        %get3A_311 = arith.index_cast %mul3A_310 : i32 to index
        %get3A_312 = tpu.vector_load %arg9[%get3A_311] {strides = array<i32>} : memref<2000xi32, #tpu.memory_space<vmem>>, vector<16xi32>,
        %get3A_313 = arith.index_cast %mul3A_310 : i32 to index
        %get3A_314 = tpu.vector_load %arg11[%get3A_313] {strides = array<i32>} : memref<2000xf32, #tpu.memory_space<vmem>>, vector<16xf32>,
        tpu.vector_store_idx %arg6[%get3A_312], %get3A_314 {add = true} : memref<10240xf32, #tpu.memory_space<vmem>>[vector<16xi32>], vector<16xf32>,
        tpu.vector_store_idx %arg7[%get3A_312], %broadcast_in_dim3A_3 {add = true} : memref<10240xf32, #tpu.memory_space<vmem>>[vector<16xi32>], vector<16xf32>,
        %mul3A_315 = arith.constant 25 : i32
        %mul3A_316 = arith.muli %scan3A_164, %mul3A_315 : i32
        %add3A_317 = arith.constant 15 : i32
        %add3A_318 = arith.addi %mul3A_316, %add3A_317 : i32
        %mul3A_319 = arith.constant 16 : i32
        %mul3A_320 = arith.muli %add3A_318, %mul3A_319 : i32
        %get3A_321 = arith.index_cast %mul3A_320 : i32 to index
        %get3A_322 = tpu.vector_load %arg9[%get3A_321] {strides = array<i32>} : memref<2000xi32, #tpu.memory_space<vmem>>, vector<16xi32>,
        %get3A_323 = arith.index_cast %mul3A_320 : i32 to index
        %get3A_324 = tpu.vector_load %arg11[%get3A_323] {strides = array<i32>} : memref<2000xf32, #tpu.memory_space<vmem>>, vector<16xf32>,
        tpu.vector_store_idx %arg6[%get3A_322], %get3A_324 {add = true} : memref<10240xf32, #tpu.memory_space<vmem>>[vector<16xi32>], vector<16xf32>,
        tpu.vector_store_idx %arg7[%get3A_322], %broadcast_in_dim3A_3 {add = true} : memref<10240xf32, #tpu.memory_space<vmem>>[vector<16xi32>], vector<16xf32>,
        %mul3A_325 = arith.constant 25 : i32
        %mul3A_326 = arith.muli %scan3A_164, %mul3A_325 : i32
        %add3A_327 = arith.constant 16 : i32
        %add3A_328 = arith.addi %mul3A_326, %add3A_327 : i32
        %mul3A_329 = arith.constant 16 : i32
        %mul3A_330 = arith.muli %add3A_328, %mul3A_329 : i32
        %get3A_331 = arith.index_cast %mul3A_330 : i32 to index
        %get3A_332 = tpu.vector_load %arg9[%get3A_331] {strides = array<i32>} : memref<2000xi32, #tpu.memory_space<vmem>>, vector<16xi32>,
        %get3A_333 = arith.index_cast %mul3A_330 : i32 to index
        %get3A_334 = tpu.vector_load %arg11[%get3A_333] {strides = array<i32>} : memref<2000xf32, #tpu.memory_space<vmem>>, vector<16xf32>,
        tpu.vector_store_idx %arg6[%get3A_332], %get3A_334 {add = true} : memref<10240xf32, #tpu.memory_space<vmem>>[vector<16xi32>], vector<16xf32>,
        tpu.vector_store_idx %arg7[%get3A_332], %broadcast_in_dim3A_3 {add = true} : memref<10240xf32, #tpu.memory_space<vmem>>[vector<16xi32>], vector<16xf32>,
        %mul3A_335 = arith.constant 25 : i32
        %mul3A_336 = arith.muli %scan3A_164, %mul3A_335 : i32
        %add3A_337 = arith.constant 17 : i32
        %add3A_338 = arith.addi %mul3A_336, %add3A_337 : i32
        %mul3A_339 = arith.constant 16 : i32
        %mul3A_340 = arith.muli %add3A_338, %mul3A_339 : i32
        %get3A_341 = arith.index_cast %mul3A_340 : i32 to index
        %get3A_342 = tpu.vector_load %arg9[%get3A_341] {strides = array<i32>} : memref<2000xi32, #tpu.memory_space<vmem>>, vector<16xi32>,
        %get3A_343 = arith.index_cast %mul3A_340 : i32 to index
        %get3A_344 = tpu.vector_load %arg11[%get3A_343] {strides = array<i32>} : memref<2000xf32, #tpu.memory_space<vmem>>, vector<16xf32>,
        tpu.vector_store_idx %arg6[%get3A_342], %get3A_344 {add = true} : memref<10240xf32, #tpu.memory_space<vmem>>[vector<16xi32>], vector<16xf32>,
        tpu.vector_store_idx %arg7[%get3A_342], %broadcast_in_dim3A_3 {add = true} : memref<10240xf32, #tpu.memory_space<vmem>>[vector<16xi32>], vector<16xf32>,
        %mul3A_345 = arith.constant 25 : i32
        %mul3A_346 = arith.muli %scan3A_164, %mul3A_345 : i32
        %add3A_347 = arith.constant 18 : i32
        %add3A_348 = arith.addi %mul3A_346, %add3A_347 : i32
        %mul3A_349 = arith.constant 16 : i32
        %mul3A_350 = arith.muli %add3A_348, %mul3A_349 : i32
        %get3A_351 = arith.index_cast %mul3A_350 : i32 to index
        %get3A_352 = tpu.vector_load %arg9[%get3A_351] {strides = array<i32>} : memref<2000xi32, #tpu.memory_space<vmem>>, vector<16xi32>,
        %get3A_353 = arith.index_cast %mul3A_350 : i32 to index
        %get3A_354 = tpu.vector_load %arg11[%get3A_353] {strides = array<i32>} : memref<2000xf32, #tpu.memory_space<vmem>>, vector<16xf32>,
        tpu.vector_store_idx %arg6[%get3A_352], %get3A_354 {add = true} : memref<10240xf32, #tpu.memory_space<vmem>>[vector<16xi32>], vector<16xf32>,
        tpu.vector_store_idx %arg7[%get3A_352], %broadcast_in_dim3A_3 {add = true} : memref<10240xf32, #tpu.memory_space<vmem>>[vector<16xi32>], vector<16xf32>,
        %mul3A_355 = arith.constant 25 : i32
        %mul3A_356 = arith.muli %scan3A_164, %mul3A_355 : i32
        %add3A_357 = arith.constant 19 : i32
        %add3A_358 = arith.addi %mul3A_356, %add3A_357 : i32
        %mul3A_359 = arith.constant 16 : i32
        %mul3A_360 = arith.muli %add3A_358, %mul3A_359 : i32
        %get3A_361 = arith.index_cast %mul3A_360 : i32 to index
        %get3A_362 = tpu.vector_load %arg9[%get3A_361] {strides = array<i32>} : memref<2000xi32, #tpu.memory_space<vmem>>, vector<16xi32>,
        %get3A_363 = arith.index_cast %mul3A_360 : i32 to index
        %get3A_364 = tpu.vector_load %arg11[%get3A_363] {strides = array<i32>} : memref<2000xf32, #tpu.memory_space<vmem>>, vector<16xf32>,
        tpu.vector_store_idx %arg6[%get3A_362], %get3A_364 {add = true} : memref<10240xf32, #tpu.memory_space<vmem>>[vector<16xi32>], vector<16xf32>,
        tpu.vector_store_idx %arg7[%get3A_362], %broadcast_in_dim3A_3 {add = true} : memref<10240xf32, #tpu.memory_space<vmem>>[vector<16xi32>], vector<16xf32>,
        %mul3A_365 = arith.constant 25 : i32
        %mul3A_366 = arith.muli %scan3A_164, %mul3A_365 : i32
        %add3A_367 = arith.constant 20 : i32
        %add3A_368 = arith.addi %mul3A_366, %add3A_367 : i32
        %mul3A_369 = arith.constant 16 : i32
        %mul3A_370 = arith.muli %add3A_368, %mul3A_369 : i32
        %get3A_371 = arith.index_cast %mul3A_370 : i32 to index
        %get3A_372 = tpu.vector_load %arg9[%get3A_371] {strides = array<i32>} : memref<2000xi32, #tpu.memory_space<vmem>>, vector<16xi32>,
        %get3A_373 = arith.index_cast %mul3A_370 : i32 to index
        %get3A_374 = tpu.vector_load %arg11[%get3A_373] {strides = array<i32>} : memref<2000xf32, #tpu.memory_space<vmem>>, vector<16xf32>,
        tpu.vector_store_idx %arg6[%get3A_372], %get3A_374 {add = true} : memref<10240xf32, #tpu.memory_space<vmem>>[vector<16xi32>], vector<16xf32>,
        tpu.vector_store_idx %arg7[%get3A_372], %broadcast_in_dim3A_3 {add = true} : memref<10240xf32, #tpu.memory_space<vmem>>[vector<16xi32>], vector<16xf32>,
        %mul3A_375 = arith.constant 25 : i32
        %mul3A_376 = arith.muli %scan3A_164, %mul3A_375 : i32
        %add3A_377 = arith.constant 21 : i32
        %add3A_378 = arith.addi %mul3A_376, %add3A_377 : i32
        %mul3A_379 = arith.constant 16 : i32
        %mul3A_380 = arith.muli %add3A_378, %mul3A_379 : i32
        %get3A_381 = arith.index_cast %mul3A_380 : i32 to index
        %get3A_382 = tpu.vector_load %arg9[%get3A_381] {strides = array<i32>} : memref<2000xi32, #tpu.memory_space<vmem>>, vector<16xi32>,
        %get3A_383 = arith.index_cast %mul3A_380 : i32 to index
        %get3A_384 = tpu.vector_load %arg11[%get3A_383] {strides = array<i32>} : memref<2000xf32, #tpu.memory_space<vmem>>, vector<16xf32>,
        tpu.vector_store_idx %arg6[%get3A_382], %get3A_384 {add = true} : memref<10240xf32, #tpu.memory_space<vmem>>[vector<16xi32>], vector<16xf32>,
        tpu.vector_store_idx %arg7[%get3A_382], %broadcast_in_dim3A_3 {add = true} : memref<10240xf32, #tpu.memory_space<vmem>>[vector<16xi32>], vector<16xf32>,
        %mul3A_385 = arith.constant 25 : i32
        %mul3A_386 = arith.muli %scan3A_164, %mul3A_385 : i32
        %add3A_387 = arith.constant 22 : i32
        %add3A_388 = arith.addi %mul3A_386, %add3A_387 : i32
        %mul3A_389 = arith.constant 16 : i32
        %mul3A_390 = arith.muli %add3A_388, %mul3A_389 : i32
        %get3A_391 = arith.index_cast %mul3A_390 : i32 to index
        %get3A_392 = tpu.vector_load %arg9[%get3A_391] {strides = array<i32>} : memref<2000xi32, #tpu.memory_space<vmem>>, vector<16xi32>,
        %get3A_393 = arith.index_cast %mul3A_390 : i32 to index
        %get3A_394 = tpu.vector_load %arg11[%get3A_393] {strides = array<i32>} : memref<2000xf32, #tpu.memory_space<vmem>>, vector<16xf32>,
        tpu.vector_store_idx %arg6[%get3A_392], %get3A_394 {add = true} : memref<10240xf32, #tpu.memory_space<vmem>>[vector<16xi32>], vector<16xf32>,
        tpu.vector_store_idx %arg7[%get3A_392], %broadcast_in_dim3A_3 {add = true} : memref<10240xf32, #tpu.memory_space<vmem>>[vector<16xi32>], vector<16xf32>,
        %mul3A_395 = arith.constant 25 : i32
        %mul3A_396 = arith.muli %scan3A_164, %mul3A_395 : i32
        %add3A_397 = arith.constant 23 : i32
        %add3A_398 = arith.addi %mul3A_396, %add3A_397 : i32
        %mul3A_399 = arith.constant 16 : i32
        %mul3A_400 = arith.muli %add3A_398, %mul3A_399 : i32
        %get3A_401 = arith.index_cast %mul3A_400 : i32 to index
        %get3A_402 = tpu.vector_load %arg9[%get3A_401] {strides = array<i32>} : memref<2000xi32, #tpu.memory_space<vmem>>, vector<16xi32>,
        %get3A_403 = arith.index_cast %mul3A_400 : i32 to index
        %get3A_404 = tpu.vector_load %arg11[%get3A_403] {strides = array<i32>} : memref<2000xf32, #tpu.memory_space<vmem>>, vector<16xf32>,
        tpu.vector_store_idx %arg6[%get3A_402], %get3A_404 {add = true} : memref<10240xf32, #tpu.memory_space<vmem>>[vector<16xi32>], vector<16xf32>,
        tpu.vector_store_idx %arg7[%get3A_402], %broadcast_in_dim3A_3 {add = true} : memref<10240xf32, #tpu.memory_space<vmem>>[vector<16xi32>], vector<16xf32>,
        %mul3A_405 = arith.constant 25 : i32
        %mul3A_406 = arith.muli %scan3A_164, %mul3A_405 : i32
        %add3A_407 = arith.constant 24 : i32
        %add3A_408 = arith.addi %mul3A_406, %add3A_407 : i32
        %mul3A_409 = arith.constant 16 : i32
        %mul3A_410 = arith.muli %add3A_408, %mul3A_409 : i32
        %get3A_411 = arith.index_cast %mul3A_410 : i32 to index
        %get3A_412 = tpu.vector_load %arg9[%get3A_411] {strides = array<i32>} : memref<2000xi32, #tpu.memory_space<vmem>>, vector<16xi32>,
        %get3A_413 = arith.index_cast %mul3A_410 : i32 to index
        %get3A_414 = tpu.vector_load %arg11[%get3A_413] {strides = array<i32>} : memref<2000xf32, #tpu.memory_space<vmem>>, vector<16xf32>,
        tpu.vector_store_idx %arg6[%get3A_412], %get3A_414 {add = true} : memref<10240xf32, #tpu.memory_space<vmem>>[vector<16xi32>], vector<16xf32>,
        tpu.vector_store_idx %arg7[%get3A_412], %broadcast_in_dim3A_3 {add = true} : memref<10240xf32, #tpu.memory_space<vmem>>[vector<16xi32>], vector<16xf32>,
        %scan3A_415 = arith.constant 0 : i32
        scf.yield %scan3A_415 : i32
      }
      %scan3A_158 = arith.constant 5 : i32
      %add3A_159 = arith.constant 3 : i32
      %add3A_160 = arith.addi %mul3A_119, %add3A_159 : i32
      %lt3A = arith.constant 25 : i32
      %lt3A_161 = arith.cmpi slt, %add3A_160, %lt3A : i32
      %convert_element_type3A = arith.extui %lt3A_161 : i1 to i32
      %cond3A = arith.constant 0 : i32
      %cond3A_162 = arith.cmpi ne, %convert_element_type3A, %cond3A : i32
      scf.if %cond3A_162 {
        %add3A_164 = arith.constant 3 : i32
        %add3A_165 = arith.addi %mul3A_119, %add3A_164 : i32
        %mul3A_166 = arith.constant 2000 : i32
        %mul3A_167 = arith.muli %add3A_165, %mul3A_166 : i32
        %add3A_168 = arith.addi %mul3A_11, %mul3A_167 : i32
        %dma_start3A_169 = tpu.memref_slice %arg3[%add3A_168] : memref<1600000xi32, #tpu.memory_space<hbm>> -> memref<2000xi32, #tpu.memory_space<hbm>>
        %dma_start3A_170 = tpu.memref_slice %arg3[%add3A_168] : memref<1600000xi32, #tpu.memory_space<hbm>> -> memref<2000xi32, #tpu.memory_space<hbm>>
        tpu.enqueue_dma source(%dma_start3A_170 : memref<2000xi32, #tpu.memory_space<hbm>>) target(%arg9 : memref<2000xi32, #tpu.memory_space<vmem>>) target_semaphore(%arg19 : memref<!tpu.dma_semaphore, #tpu.memory_space<semaphore_mem>>)
        %dma_start3A_171 = tpu.memref_slice %arg2[%add3A_168] : memref<1600000xf32, #tpu.memory_space<hbm>> -> memref<2000xf32, #tpu.memory_space<hbm>>
        %dma_start3A_172 = tpu.memref_slice %arg2[%add3A_168] : memref<1600000xf32, #tpu.memory_space<hbm>> -> memref<2000xf32, #tpu.memory_space<hbm>>
        tpu.enqueue_dma source(%dma_start3A_172 : memref<2000xf32, #tpu.memory_space<hbm>>) target(%arg11 : memref<2000xf32, #tpu.memory_space<vmem>>) target_semaphore(%arg19 : memref<!tpu.dma_semaphore, #tpu.memory_space<semaphore_mem>>)
      } else {
      }
      %scan3A_163 = arith.constant 0 : i32
      scf.yield %scan3A_163 : i32
    }
    %scan3A_29 = arith.constant 12 : i32
    %dma_wait3A = arith.constant 0 : i32
    %dma_wait3A_30 = tpu.memref_slice %arg3[%dma_wait3A] : memref<1600000xi32, #tpu.memory_space<hbm>> -> memref<2000xi32, #tpu.memory_space<hbm>>
    %dma_wait3A_31 = arith.constant 0 : i32
    %dma_wait3A_32 = tpu.memref_slice %arg3[%dma_wait3A_31] : memref<1600000xi32, #tpu.memory_space<hbm>> -> memref<2000xi32, #tpu.memory_space<hbm>>
    tpu.wait_dma2 semaphore(%arg18 : memref<!tpu.dma_semaphore, #tpu.memory_space<semaphore_mem>>) src(%dma_wait3A_32 : memref<2000xi32, #tpu.memory_space<hbm>>) dst(%arg8 : memref<2000xi32, #tpu.memory_space<vmem>>)
    %dma_wait3A_33 = arith.constant 0 : i32
    %dma_wait3A_34 = tpu.memref_slice %arg2[%dma_wait3A_33] : memref<1600000xf32, #tpu.memory_space<hbm>> -> memref<2000xf32, #tpu.memory_space<hbm>>
    %dma_wait3A_35 = arith.constant 0 : i32
    %dma_wait3A_36 = tpu.memref_slice %arg2[%dma_wait3A_35] : memref<1600000xf32, #tpu.memory_space<hbm>> -> memref<2000xf32, #tpu.memory_space<hbm>>
    tpu.wait_dma2 semaphore(%arg18 : memref<!tpu.dma_semaphore, #tpu.memory_space<semaphore_mem>>) src(%dma_wait3A_36 : memref<2000xf32, #tpu.memory_space<hbm>>) dst(%arg10 : memref<2000xf32, #tpu.memory_space<vmem>>)
    %scan3A_37 = arith.constant 0 : i32
    %scan3A_38 = arith.constant 0 : i32
    %scan3A_39 = arith.constant 5 : i32
    %scan3A_40 = arith.addi %scan3A_38, %scan3A_39 : i32
    %scan3A_41 = arith.constant 1 : i32
    %scan3A_42 = scf.for %scan3A_116 = %scan3A_38 to %scan3A_40 step %scan3A_41 iter_args(%scan3A_117 = %scan3A_37) -> (i32)  : i32 {
      %mul3A_118 = arith.constant 25 : i32
      %mul3A_119 = arith.muli %scan3A_116, %mul3A_118 : i32
      %add3A_120 = arith.constant 0 : i32
      %add3A_121 = arith.addi %mul3A_119, %add3A_120 : i32
      %mul3A_122 = arith.constant 16 : i32
      %mul3A_123 = arith.muli %add3A_121, %mul3A_122 : i32
      %get3A = arith.index_cast %mul3A_123 : i32 to index
      %get3A_124 = tpu.vector_load %arg8[%get3A] {strides = array<i32>} : memref<2000xi32, #tpu.memory_space<vmem>>, vector<16xi32>,
      %get3A_125 = arith.index_cast %mul3A_123 : i32 to index
      %get3A_126 = tpu.vector_load %arg10[%get3A_125] {strides = array<i32>} : memref<2000xf32, #tpu.memory_space<vmem>>, vector<16xf32>,
      tpu.vector_store_idx %arg6[%get3A_124], %get3A_126 {add = true} : memref<10240xf32, #tpu.memory_space<vmem>>[vector<16xi32>], vector<16xf32>,
      tpu.vector_store_idx %arg7[%get3A_124], %broadcast_in_dim3A_3 {add = true} : memref<10240xf32, #tpu.memory_space<vmem>>[vector<16xi32>], vector<16xf32>,
      %mul3A_127 = arith.constant 25 : i32
      %mul3A_128 = arith.muli %scan3A_116, %mul3A_127 : i32
      %add3A_129 = arith.constant 1 : i32
      %add3A_130 = arith.addi %mul3A_128, %add3A_129 : i32
      %mul3A_131 = arith.constant 16 : i32
      %mul3A_132 = arith.muli %add3A_130, %mul3A_131 : i32
      %get3A_133 = arith.index_cast %mul3A_132 : i32 to index
      %get3A_134 = tpu.vector_load %arg8[%get3A_133] {strides = array<i32>} : memref<2000xi32, #tpu.memory_space<vmem>>, vector<16xi32>,
      %get3A_135 = arith.index_cast %mul3A_132 : i32 to index
      %get3A_136 = tpu.vector_load %arg10[%get3A_135] {strides = array<i32>} : memref<2000xf32, #tpu.memory_space<vmem>>, vector<16xf32>,
      tpu.vector_store_idx %arg6[%get3A_134], %get3A_136 {add = true} : memref<10240xf32, #tpu.memory_space<vmem>>[vector<16xi32>], vector<16xf32>,
      tpu.vector_store_idx %arg7[%get3A_134], %broadcast_in_dim3A_3 {add = true} : memref<10240xf32, #tpu.memory_space<vmem>>[vector<16xi32>], vector<16xf32>,
      %mul3A_137 = arith.constant 25 : i32
      %mul3A_138 = arith.muli %scan3A_116, %mul3A_137 : i32
      %add3A_139 = arith.constant 2 : i32
      %add3A_140 = arith.addi %mul3A_138, %add3A_139 : i32
      %mul3A_141 = arith.constant 16 : i32
      %mul3A_142 = arith.muli %add3A_140, %mul3A_141 : i32
      %get3A_143 = arith.index_cast %mul3A_142 : i32 to index
      %get3A_144 = tpu.vector_load %arg8[%get3A_143] {strides = array<i32>} : memref<2000xi32, #tpu.memory_space<vmem>>, vector<16xi32>,
      %get3A_145 = arith.index_cast %mul3A_142 : i32 to index
      %get3A_146 = tpu.vector_load %arg10[%get3A_145] {strides = array<i32>} : memref<2000xf32, #tpu.memory_space<vmem>>, vector<16xf32>,
      tpu.vector_store_idx %arg6[%get3A_144], %get3A_146 {add = true} : memref<10240xf32, #tpu.memory_space<vmem>>[vector<16xi32>], vector<16xf32>,
      tpu.vector_store_idx %arg7[%get3A_144], %broadcast_in_dim3A_3 {add = true} : memref<10240xf32, #tpu.memory_space<vmem>>[vector<16xi32>], vector<16xf32>,
      %mul3A_147 = arith.constant 25 : i32
      %mul3A_148 = arith.muli %scan3A_116, %mul3A_147 : i32
      %add3A_149 = arith.constant 3 : i32
      %add3A_150 = arith.addi %mul3A_148, %add3A_149 : i32
      %mul3A_151 = arith.constant 16 : i32
      %mul3A_152 = arith.muli %add3A_150, %mul3A_151 : i32
      %get3A_153 = arith.index_cast %mul3A_152 : i32 to index
      %get3A_154 = tpu.vector_load %arg8[%get3A_153] {strides = array<i32>} : memref<2000xi32, #tpu.memory_space<vmem>>, vector<16xi32>,
      %get3A_155 = arith.index_cast %mul3A_152 : i32 to index
      %get3A_156 = tpu.vector_load %arg10[%get3A_155] {strides = array<i32>} : memref<2000xf32, #tpu.memory_space<vmem>>, vector<16xf32>,
      tpu.vector_store_idx %arg6[%get3A_154], %get3A_156 {add = true} : memref<10240xf32, #tpu.memory_space<vmem>>[vector<16xi32>], vector<16xf32>,
      tpu.vector_store_idx %arg7[%get3A_154], %broadcast_in_dim3A_3 {add = true} : memref<10240xf32, #tpu.memory_space<vmem>>[vector<16xi32>], vector<16xf32>,
      %mul3A_157 = arith.constant 25 : i32
      %mul3A_158 = arith.muli %scan3A_116, %mul3A_157 : i32
      %add3A_159 = arith.constant 4 : i32
      %add3A_160 = arith.addi %mul3A_158, %add3A_159 : i32
      %mul3A_161 = arith.constant 16 : i32
      %mul3A_162 = arith.muli %add3A_160, %mul3A_161 : i32
      %get3A_163 = arith.index_cast %mul3A_162 : i32 to index
      %get3A_164 = tpu.vector_load %arg8[%get3A_163] {strides = array<i32>} : memref<2000xi32, #tpu.memory_space<vmem>>, vector<16xi32>,
      %get3A_165 = arith.index_cast %mul3A_162 : i32 to index
      %get3A_166 = tpu.vector_load %arg10[%get3A_165] {strides = array<i32>} : memref<2000xf32, #tpu.memory_space<vmem>>, vector<16xf32>,
      tpu.vector_store_idx %arg6[%get3A_164], %get3A_166 {add = true} : memref<10240xf32, #tpu.memory_space<vmem>>[vector<16xi32>], vector<16xf32>,
      tpu.vector_store_idx %arg7[%get3A_164], %broadcast_in_dim3A_3 {add = true} : memref<10240xf32, #tpu.memory_space<vmem>>[vector<16xi32>], vector<16xf32>,
      %mul3A_167 = arith.constant 25 : i32
      %mul3A_168 = arith.muli %scan3A_116, %mul3A_167 : i32
      %add3A_169 = arith.constant 5 : i32
      %add3A_170 = arith.addi %mul3A_168, %add3A_169 : i32
      %mul3A_171 = arith.constant 16 : i32
      %mul3A_172 = arith.muli %add3A_170, %mul3A_171 : i32
      %get3A_173 = arith.index_cast %mul3A_172 : i32 to index
      %get3A_174 = tpu.vector_load %arg8[%get3A_173] {strides = array<i32>} : memref<2000xi32, #tpu.memory_space<vmem>>, vector<16xi32>,
      %get3A_175 = arith.index_cast %mul3A_172 : i32 to index
      %get3A_176 = tpu.vector_load %arg10[%get3A_175] {strides = array<i32>} : memref<2000xf32, #tpu.memory_space<vmem>>, vector<16xf32>,
      tpu.vector_store_idx %arg6[%get3A_174], %get3A_176 {add = true} : memref<10240xf32, #tpu.memory_space<vmem>>[vector<16xi32>], vector<16xf32>,
      tpu.vector_store_idx %arg7[%get3A_174], %broadcast_in_dim3A_3 {add = true} : memref<10240xf32, #tpu.memory_space<vmem>>[vector<16xi32>], vector<16xf32>,
      %mul3A_177 = arith.constant 25 : i32
      %mul3A_178 = arith.muli %scan3A_116, %mul3A_177 : i32
      %add3A_179 = arith.constant 6 : i32
      %add3A_180 = arith.addi %mul3A_178, %add3A_179 : i32
      %mul3A_181 = arith.constant 16 : i32
      %mul3A_182 = arith.muli %add3A_180, %mul3A_181 : i32
      %get3A_183 = arith.index_cast %mul3A_182 : i32 to index
      %get3A_184 = tpu.vector_load %arg8[%get3A_183] {strides = array<i32>} : memref<2000xi32, #tpu.memory_space<vmem>>, vector<16xi32>,
      %get3A_185 = arith.index_cast %mul3A_182 : i32 to index
      %get3A_186 = tpu.vector_load %arg10[%get3A_185] {strides = array<i32>} : memref<2000xf32, #tpu.memory_space<vmem>>, vector<16xf32>,
      tpu.vector_store_idx %arg6[%get3A_184], %get3A_186 {add = true} : memref<10240xf32, #tpu.memory_space<vmem>>[vector<16xi32>], vector<16xf32>,
      tpu.vector_store_idx %arg7[%get3A_184], %broadcast_in_dim3A_3 {add = true} : memref<10240xf32, #tpu.memory_space<vmem>>[vector<16xi32>], vector<16xf32>,
      %mul3A_187 = arith.constant 25 : i32
      %mul3A_188 = arith.muli %scan3A_116, %mul3A_187 : i32
      %add3A_189 = arith.constant 7 : i32
      %add3A_190 = arith.addi %mul3A_188, %add3A_189 : i32
      %mul3A_191 = arith.constant 16 : i32
      %mul3A_192 = arith.muli %add3A_190, %mul3A_191 : i32
      %get3A_193 = arith.index_cast %mul3A_192 : i32 to index
      %get3A_194 = tpu.vector_load %arg8[%get3A_193] {strides = array<i32>} : memref<2000xi32, #tpu.memory_space<vmem>>, vector<16xi32>,
      %get3A_195 = arith.index_cast %mul3A_192 : i32 to index
      %get3A_196 = tpu.vector_load %arg10[%get3A_195] {strides = array<i32>} : memref<2000xf32, #tpu.memory_space<vmem>>, vector<16xf32>,
      tpu.vector_store_idx %arg6[%get3A_194], %get3A_196 {add = true} : memref<10240xf32, #tpu.memory_space<vmem>>[vector<16xi32>], vector<16xf32>,
      tpu.vector_store_idx %arg7[%get3A_194], %broadcast_in_dim3A_3 {add = true} : memref<10240xf32, #tpu.memory_space<vmem>>[vector<16xi32>], vector<16xf32>,
      %mul3A_197 = arith.constant 25 : i32
      %mul3A_198 = arith.muli %scan3A_116, %mul3A_197 : i32
      %add3A_199 = arith.constant 8 : i32
      %add3A_200 = arith.addi %mul3A_198, %add3A_199 : i32
      %mul3A_201 = arith.constant 16 : i32
      %mul3A_202 = arith.muli %add3A_200, %mul3A_201 : i32
      %get3A_203 = arith.index_cast %mul3A_202 : i32 to index
      %get3A_204 = tpu.vector_load %arg8[%get3A_203] {strides = array<i32>} : memref<2000xi32, #tpu.memory_space<vmem>>, vector<16xi32>,
      %get3A_205 = arith.index_cast %mul3A_202 : i32 to index
      %get3A_206 = tpu.vector_load %arg10[%get3A_205] {strides = array<i32>} : memref<2000xf32, #tpu.memory_space<vmem>>, vector<16xf32>,
      tpu.vector_store_idx %arg6[%get3A_204], %get3A_206 {add = true} : memref<10240xf32, #tpu.memory_space<vmem>>[vector<16xi32>], vector<16xf32>,
      tpu.vector_store_idx %arg7[%get3A_204], %broadcast_in_dim3A_3 {add = true} : memref<10240xf32, #tpu.memory_space<vmem>>[vector<16xi32>], vector<16xf32>,
      %mul3A_207 = arith.constant 25 : i32
      %mul3A_208 = arith.muli %scan3A_116, %mul3A_207 : i32
      %add3A_209 = arith.constant 9 : i32
      %add3A_210 = arith.addi %mul3A_208, %add3A_209 : i32
      %mul3A_211 = arith.constant 16 : i32
      %mul3A_212 = arith.muli %add3A_210, %mul3A_211 : i32
      %get3A_213 = arith.index_cast %mul3A_212 : i32 to index
      %get3A_214 = tpu.vector_load %arg8[%get3A_213] {strides = array<i32>} : memref<2000xi32, #tpu.memory_space<vmem>>, vector<16xi32>,
      %get3A_215 = arith.index_cast %mul3A_212 : i32 to index
      %get3A_216 = tpu.vector_load %arg10[%get3A_215] {strides = array<i32>} : memref<2000xf32, #tpu.memory_space<vmem>>, vector<16xf32>,
      tpu.vector_store_idx %arg6[%get3A_214], %get3A_216 {add = true} : memref<10240xf32, #tpu.memory_space<vmem>>[vector<16xi32>], vector<16xf32>,
      tpu.vector_store_idx %arg7[%get3A_214], %broadcast_in_dim3A_3 {add = true} : memref<10240xf32, #tpu.memory_space<vmem>>[vector<16xi32>], vector<16xf32>,
      %mul3A_217 = arith.constant 25 : i32
      %mul3A_218 = arith.muli %scan3A_116, %mul3A_217 : i32
      %add3A_219 = arith.constant 10 : i32
      %add3A_220 = arith.addi %mul3A_218, %add3A_219 : i32
      %mul3A_221 = arith.constant 16 : i32
      %mul3A_222 = arith.muli %add3A_220, %mul3A_221 : i32
      %get3A_223 = arith.index_cast %mul3A_222 : i32 to index
      %get3A_224 = tpu.vector_load %arg8[%get3A_223] {strides = array<i32>} : memref<2000xi32, #tpu.memory_space<vmem>>, vector<16xi32>,
      %get3A_225 = arith.index_cast %mul3A_222 : i32 to index
      %get3A_226 = tpu.vector_load %arg10[%get3A_225] {strides = array<i32>} : memref<2000xf32, #tpu.memory_space<vmem>>, vector<16xf32>,
      tpu.vector_store_idx %arg6[%get3A_224], %get3A_226 {add = true} : memref<10240xf32, #tpu.memory_space<vmem>>[vector<16xi32>], vector<16xf32>,
      tpu.vector_store_idx %arg7[%get3A_224], %broadcast_in_dim3A_3 {add = true} : memref<10240xf32, #tpu.memory_space<vmem>>[vector<16xi32>], vector<16xf32>,
      %mul3A_227 = arith.constant 25 : i32
      %mul3A_228 = arith.muli %scan3A_116, %mul3A_227 : i32
      %add3A_229 = arith.constant 11 : i32
      %add3A_230 = arith.addi %mul3A_228, %add3A_229 : i32
      %mul3A_231 = arith.constant 16 : i32
      %mul3A_232 = arith.muli %add3A_230, %mul3A_231 : i32
      %get3A_233 = arith.index_cast %mul3A_232 : i32 to index
      %get3A_234 = tpu.vector_load %arg8[%get3A_233] {strides = array<i32>} : memref<2000xi32, #tpu.memory_space<vmem>>, vector<16xi32>,
      %get3A_235 = arith.index_cast %mul3A_232 : i32 to index
      %get3A_236 = tpu.vector_load %arg10[%get3A_235] {strides = array<i32>} : memref<2000xf32, #tpu.memory_space<vmem>>, vector<16xf32>,
      tpu.vector_store_idx %arg6[%get3A_234], %get3A_236 {add = true} : memref<10240xf32, #tpu.memory_space<vmem>>[vector<16xi32>], vector<16xf32>,
      tpu.vector_store_idx %arg7[%get3A_234], %broadcast_in_dim3A_3 {add = true} : memref<10240xf32, #tpu.memory_space<vmem>>[vector<16xi32>], vector<16xf32>,
      %mul3A_237 = arith.constant 25 : i32
      %mul3A_238 = arith.muli %scan3A_116, %mul3A_237 : i32
      %add3A_239 = arith.constant 12 : i32
      %add3A_240 = arith.addi %mul3A_238, %add3A_239 : i32
      %mul3A_241 = arith.constant 16 : i32
      %mul3A_242 = arith.muli %add3A_240, %mul3A_241 : i32
      %get3A_243 = arith.index_cast %mul3A_242 : i32 to index
      %get3A_244 = tpu.vector_load %arg8[%get3A_243] {strides = array<i32>} : memref<2000xi32, #tpu.memory_space<vmem>>, vector<16xi32>,
      %get3A_245 = arith.index_cast %mul3A_242 : i32 to index
      %get3A_246 = tpu.vector_load %arg10[%get3A_245] {strides = array<i32>} : memref<2000xf32, #tpu.memory_space<vmem>>, vector<16xf32>,
      tpu.vector_store_idx %arg6[%get3A_244], %get3A_246 {add = true} : memref<10240xf32, #tpu.memory_space<vmem>>[vector<16xi32>], vector<16xf32>,
      tpu.vector_store_idx %arg7[%get3A_244], %broadcast_in_dim3A_3 {add = true} : memref<10240xf32, #tpu.memory_space<vmem>>[vector<16xi32>], vector<16xf32>,
      %mul3A_247 = arith.constant 25 : i32
      %mul3A_248 = arith.muli %scan3A_116, %mul3A_247 : i32
      %add3A_249 = arith.constant 13 : i32
      %add3A_250 = arith.addi %mul3A_248, %add3A_249 : i32
      %mul3A_251 = arith.constant 16 : i32
      %mul3A_252 = arith.muli %add3A_250, %mul3A_251 : i32
      %get3A_253 = arith.index_cast %mul3A_252 : i32 to index
      %get3A_254 = tpu.vector_load %arg8[%get3A_253] {strides = array<i32>} : memref<2000xi32, #tpu.memory_space<vmem>>, vector<16xi32>,
      %get3A_255 = arith.index_cast %mul3A_252 : i32 to index
      %get3A_256 = tpu.vector_load %arg10[%get3A_255] {strides = array<i32>} : memref<2000xf32, #tpu.memory_space<vmem>>, vector<16xf32>,
      tpu.vector_store_idx %arg6[%get3A_254], %get3A_256 {add = true} : memref<10240xf32, #tpu.memory_space<vmem>>[vector<16xi32>], vector<16xf32>,
      tpu.vector_store_idx %arg7[%get3A_254], %broadcast_in_dim3A_3 {add = true} : memref<10240xf32, #tpu.memory_space<vmem>>[vector<16xi32>], vector<16xf32>,
      %mul3A_257 = arith.constant 25 : i32
      %mul3A_258 = arith.muli %scan3A_116, %mul3A_257 : i32
      %add3A_259 = arith.constant 14 : i32
      %add3A_260 = arith.addi %mul3A_258, %add3A_259 : i32
      %mul3A_261 = arith.constant 16 : i32
      %mul3A_262 = arith.muli %add3A_260, %mul3A_261 : i32
      %get3A_263 = arith.index_cast %mul3A_262 : i32 to index
      %get3A_264 = tpu.vector_load %arg8[%get3A_263] {strides = array<i32>} : memref<2000xi32, #tpu.memory_space<vmem>>, vector<16xi32>,
      %get3A_265 = arith.index_cast %mul3A_262 : i32 to index
      %get3A_266 = tpu.vector_load %arg10[%get3A_265] {strides = array<i32>} : memref<2000xf32, #tpu.memory_space<vmem>>, vector<16xf32>,
      tpu.vector_store_idx %arg6[%get3A_264], %get3A_266 {add = true} : memref<10240xf32, #tpu.memory_space<vmem>>[vector<16xi32>], vector<16xf32>,
      tpu.vector_store_idx %arg7[%get3A_264], %broadcast_in_dim3A_3 {add = true} : memref<10240xf32, #tpu.memory_space<vmem>>[vector<16xi32>], vector<16xf32>,
      %mul3A_267 = arith.constant 25 : i32
      %mul3A_268 = arith.muli %scan3A_116, %mul3A_267 : i32
      %add3A_269 = arith.constant 15 : i32
      %add3A_270 = arith.addi %mul3A_268, %add3A_269 : i32
      %mul3A_271 = arith.constant 16 : i32
      %mul3A_272 = arith.muli %add3A_270, %mul3A_271 : i32
      %get3A_273 = arith.index_cast %mul3A_272 : i32 to index
      %get3A_274 = tpu.vector_load %arg8[%get3A_273] {strides = array<i32>} : memref<2000xi32, #tpu.memory_space<vmem>>, vector<16xi32>,
      %get3A_275 = arith.index_cast %mul3A_272 : i32 to index
      %get3A_276 = tpu.vector_load %arg10[%get3A_275] {strides = array<i32>} : memref<2000xf32, #tpu.memory_space<vmem>>, vector<16xf32>,
      tpu.vector_store_idx %arg6[%get3A_274], %get3A_276 {add = true} : memref<10240xf32, #tpu.memory_space<vmem>>[vector<16xi32>], vector<16xf32>,
      tpu.vector_store_idx %arg7[%get3A_274], %broadcast_in_dim3A_3 {add = true} : memref<10240xf32, #tpu.memory_space<vmem>>[vector<16xi32>], vector<16xf32>,
      %mul3A_277 = arith.constant 25 : i32
      %mul3A_278 = arith.muli %scan3A_116, %mul3A_277 : i32
      %add3A_279 = arith.constant 16 : i32
      %add3A_280 = arith.addi %mul3A_278, %add3A_279 : i32
      %mul3A_281 = arith.constant 16 : i32
      %mul3A_282 = arith.muli %add3A_280, %mul3A_281 : i32
      %get3A_283 = arith.index_cast %mul3A_282 : i32 to index
      %get3A_284 = tpu.vector_load %arg8[%get3A_283] {strides = array<i32>} : memref<2000xi32, #tpu.memory_space<vmem>>, vector<16xi32>,
      %get3A_285 = arith.index_cast %mul3A_282 : i32 to index
      %get3A_286 = tpu.vector_load %arg10[%get3A_285] {strides = array<i32>} : memref<2000xf32, #tpu.memory_space<vmem>>, vector<16xf32>,
      tpu.vector_store_idx %arg6[%get3A_284], %get3A_286 {add = true} : memref<10240xf32, #tpu.memory_space<vmem>>[vector<16xi32>], vector<16xf32>,
      tpu.vector_store_idx %arg7[%get3A_284], %broadcast_in_dim3A_3 {add = true} : memref<10240xf32, #tpu.memory_space<vmem>>[vector<16xi32>], vector<16xf32>,
      %mul3A_287 = arith.constant 25 : i32
      %mul3A_288 = arith.muli %scan3A_116, %mul3A_287 : i32
      %add3A_289 = arith.constant 17 : i32
      %add3A_290 = arith.addi %mul3A_288, %add3A_289 : i32
      %mul3A_291 = arith.constant 16 : i32
      %mul3A_292 = arith.muli %add3A_290, %mul3A_291 : i32
      %get3A_293 = arith.index_cast %mul3A_292 : i32 to index
      %get3A_294 = tpu.vector_load %arg8[%get3A_293] {strides = array<i32>} : memref<2000xi32, #tpu.memory_space<vmem>>, vector<16xi32>,
      %get3A_295 = arith.index_cast %mul3A_292 : i32 to index
      %get3A_296 = tpu.vector_load %arg10[%get3A_295] {strides = array<i32>} : memref<2000xf32, #tpu.memory_space<vmem>>, vector<16xf32>,
      tpu.vector_store_idx %arg6[%get3A_294], %get3A_296 {add = true} : memref<10240xf32, #tpu.memory_space<vmem>>[vector<16xi32>], vector<16xf32>,
      tpu.vector_store_idx %arg7[%get3A_294], %broadcast_in_dim3A_3 {add = true} : memref<10240xf32, #tpu.memory_space<vmem>>[vector<16xi32>], vector<16xf32>,
      %mul3A_297 = arith.constant 25 : i32
      %mul3A_298 = arith.muli %scan3A_116, %mul3A_297 : i32
      %add3A_299 = arith.constant 18 : i32
      %add3A_300 = arith.addi %mul3A_298, %add3A_299 : i32
      %mul3A_301 = arith.constant 16 : i32
      %mul3A_302 = arith.muli %add3A_300, %mul3A_301 : i32
      %get3A_303 = arith.index_cast %mul3A_302 : i32 to index
      %get3A_304 = tpu.vector_load %arg8[%get3A_303] {strides = array<i32>} : memref<2000xi32, #tpu.memory_space<vmem>>, vector<16xi32>,
      %get3A_305 = arith.index_cast %mul3A_302 : i32 to index
      %get3A_306 = tpu.vector_load %arg10[%get3A_305] {strides = array<i32>} : memref<2000xf32, #tpu.memory_space<vmem>>, vector<16xf32>,
      tpu.vector_store_idx %arg6[%get3A_304], %get3A_306 {add = true} : memref<10240xf32, #tpu.memory_space<vmem>>[vector<16xi32>], vector<16xf32>,
      tpu.vector_store_idx %arg7[%get3A_304], %broadcast_in_dim3A_3 {add = true} : memref<10240xf32, #tpu.memory_space<vmem>>[vector<16xi32>], vector<16xf32>,
      %mul3A_307 = arith.constant 25 : i32
      %mul3A_308 = arith.muli %scan3A_116, %mul3A_307 : i32
      %add3A_309 = arith.constant 19 : i32
      %add3A_310 = arith.addi %mul3A_308, %add3A_309 : i32
      %mul3A_311 = arith.constant 16 : i32
      %mul3A_312 = arith.muli %add3A_310, %mul3A_311 : i32
      %get3A_313 = arith.index_cast %mul3A_312 : i32 to index
      %get3A_314 = tpu.vector_load %arg8[%get3A_313] {strides = array<i32>} : memref<2000xi32, #tpu.memory_space<vmem>>, vector<16xi32>,
      %get3A_315 = arith.index_cast %mul3A_312 : i32 to index
      %get3A_316 = tpu.vector_load %arg10[%get3A_315] {strides = array<i32>} : memref<2000xf32, #tpu.memory_space<vmem>>, vector<16xf32>,
      tpu.vector_store_idx %arg6[%get3A_314], %get3A_316 {add = true} : memref<10240xf32, #tpu.memory_space<vmem>>[vector<16xi32>], vector<16xf32>,
      tpu.vector_store_idx %arg7[%get3A_314], %broadcast_in_dim3A_3 {add = true} : memref<10240xf32, #tpu.memory_space<vmem>>[vector<16xi32>], vector<16xf32>,
      %mul3A_317 = arith.constant 25 : i32
      %mul3A_318 = arith.muli %scan3A_116, %mul3A_317 : i32
      %add3A_319 = arith.constant 20 : i32
      %add3A_320 = arith.addi %mul3A_318, %add3A_319 : i32
      %mul3A_321 = arith.constant 16 : i32
      %mul3A_322 = arith.muli %add3A_320, %mul3A_321 : i32
      %get3A_323 = arith.index_cast %mul3A_322 : i32 to index
      %get3A_324 = tpu.vector_load %arg8[%get3A_323] {strides = array<i32>} : memref<2000xi32, #tpu.memory_space<vmem>>, vector<16xi32>,
      %get3A_325 = arith.index_cast %mul3A_322 : i32 to index
      %get3A_326 = tpu.vector_load %arg10[%get3A_325] {strides = array<i32>} : memref<2000xf32, #tpu.memory_space<vmem>>, vector<16xf32>,
      tpu.vector_store_idx %arg6[%get3A_324], %get3A_326 {add = true} : memref<10240xf32, #tpu.memory_space<vmem>>[vector<16xi32>], vector<16xf32>,
      tpu.vector_store_idx %arg7[%get3A_324], %broadcast_in_dim3A_3 {add = true} : memref<10240xf32, #tpu.memory_space<vmem>>[vector<16xi32>], vector<16xf32>,
      %mul3A_327 = arith.constant 25 : i32
      %mul3A_328 = arith.muli %scan3A_116, %mul3A_327 : i32
      %add3A_329 = arith.constant 21 : i32
      %add3A_330 = arith.addi %mul3A_328, %add3A_329 : i32
      %mul3A_331 = arith.constant 16 : i32
      %mul3A_332 = arith.muli %add3A_330, %mul3A_331 : i32
      %get3A_333 = arith.index_cast %mul3A_332 : i32 to index
      %get3A_334 = tpu.vector_load %arg8[%get3A_333] {strides = array<i32>} : memref<2000xi32, #tpu.memory_space<vmem>>, vector<16xi32>,
      %get3A_335 = arith.index_cast %mul3A_332 : i32 to index
      %get3A_336 = tpu.vector_load %arg10[%get3A_335] {strides = array<i32>} : memref<2000xf32, #tpu.memory_space<vmem>>, vector<16xf32>,
      tpu.vector_store_idx %arg6[%get3A_334], %get3A_336 {add = true} : memref<10240xf32, #tpu.memory_space<vmem>>[vector<16xi32>], vector<16xf32>,
      tpu.vector_store_idx %arg7[%get3A_334], %broadcast_in_dim3A_3 {add = true} : memref<10240xf32, #tpu.memory_space<vmem>>[vector<16xi32>], vector<16xf32>,
      %mul3A_337 = arith.constant 25 : i32
      %mul3A_338 = arith.muli %scan3A_116, %mul3A_337 : i32
      %add3A_339 = arith.constant 22 : i32
      %add3A_340 = arith.addi %mul3A_338, %add3A_339 : i32
      %mul3A_341 = arith.constant 16 : i32
      %mul3A_342 = arith.muli %add3A_340, %mul3A_341 : i32
      %get3A_343 = arith.index_cast %mul3A_342 : i32 to index
      %get3A_344 = tpu.vector_load %arg8[%get3A_343] {strides = array<i32>} : memref<2000xi32, #tpu.memory_space<vmem>>, vector<16xi32>,
      %get3A_345 = arith.index_cast %mul3A_342 : i32 to index
      %get3A_346 = tpu.vector_load %arg10[%get3A_345] {strides = array<i32>} : memref<2000xf32, #tpu.memory_space<vmem>>, vector<16xf32>,
      tpu.vector_store_idx %arg6[%get3A_344], %get3A_346 {add = true} : memref<10240xf32, #tpu.memory_space<vmem>>[vector<16xi32>], vector<16xf32>,
      tpu.vector_store_idx %arg7[%get3A_344], %broadcast_in_dim3A_3 {add = true} : memref<10240xf32, #tpu.memory_space<vmem>>[vector<16xi32>], vector<16xf32>,
      %mul3A_347 = arith.constant 25 : i32
      %mul3A_348 = arith.muli %scan3A_116, %mul3A_347 : i32
      %add3A_349 = arith.constant 23 : i32
      %add3A_350 = arith.addi %mul3A_348, %add3A_349 : i32
      %mul3A_351 = arith.constant 16 : i32
      %mul3A_352 = arith.muli %add3A_350, %mul3A_351 : i32
      %get3A_353 = arith.index_cast %mul3A_352 : i32 to index
      %get3A_354 = tpu.vector_load %arg8[%get3A_353] {strides = array<i32>} : memref<2000xi32, #tpu.memory_space<vmem>>, vector<16xi32>,
      %get3A_355 = arith.index_cast %mul3A_352 : i32 to index
      %get3A_356 = tpu.vector_load %arg10[%get3A_355] {strides = array<i32>} : memref<2000xf32, #tpu.memory_space<vmem>>, vector<16xf32>,
      tpu.vector_store_idx %arg6[%get3A_354], %get3A_356 {add = true} : memref<10240xf32, #tpu.memory_space<vmem>>[vector<16xi32>], vector<16xf32>,
      tpu.vector_store_idx %arg7[%get3A_354], %broadcast_in_dim3A_3 {add = true} : memref<10240xf32, #tpu.memory_space<vmem>>[vector<16xi32>], vector<16xf32>,
      %mul3A_357 = arith.constant 25 : i32
      %mul3A_358 = arith.muli %scan3A_116, %mul3A_357 : i32
      %add3A_359 = arith.constant 24 : i32
      %add3A_360 = arith.addi %mul3A_358, %add3A_359 : i32
      %mul3A_361 = arith.constant 16 : i32
      %mul3A_362 = arith.muli %add3A_360, %mul3A_361 : i32
      %get3A_363 = arith.index_cast %mul3A_362 : i32 to index
      %get3A_364 = tpu.vector_load %arg8[%get3A_363] {strides = array<i32>} : memref<2000xi32, #tpu.memory_space<vmem>>, vector<16xi32>,
      %get3A_365 = arith.index_cast %mul3A_362 : i32 to index
      %get3A_366 = tpu.vector_load %arg10[%get3A_365] {strides = array<i32>} : memref<2000xf32, #tpu.memory_space<vmem>>, vector<16xf32>,
      tpu.vector_store_idx %arg6[%get3A_364], %get3A_366 {add = true} : memref<10240xf32, #tpu.memory_space<vmem>>[vector<16xi32>], vector<16xf32>,
      tpu.vector_store_idx %arg7[%get3A_364], %broadcast_in_dim3A_3 {add = true} : memref<10240xf32, #tpu.memory_space<vmem>>[vector<16xi32>], vector<16xf32>,
      %scan3A_367 = arith.constant 0 : i32
      scf.yield %scan3A_367 : i32
    }
    %scan3A_43 = arith.constant 5 : i32
    %dma_start3A_44 = arith.constant 0 : i32
    %dma_start3A_45 = tpu.memref_slice %arg16[%arg1, %dma_start3A_44] : memref<16x10240xf32, #tpu.memory_space<vmem_shared>> -> memref<1x10240xf32, #tpu.memory_space<vmem_shared>>
    %dma_start3A_46 = tpu.memref_squeeze %dma_start3A_45 : memref<1x10240xf32, #tpu.memory_space<vmem_shared>> -> memref<10240xf32, #tpu.memory_space<vmem_shared>>
    %dma_start3A_47 = arith.constant 0 : i32
    %dma_start3A_48 = tpu.memref_slice %arg16[%arg1, %dma_start3A_47] : memref<16x10240xf32, #tpu.memory_space<vmem_shared>> -> memref<1x10240xf32, #tpu.memory_space<vmem_shared>>
    %dma_start3A_49 = tpu.memref_squeeze %dma_start3A_48 : memref<1x10240xf32, #tpu.memory_space<vmem_shared>> -> memref<10240xf32, #tpu.memory_space<vmem_shared>>
    tpu.enqueue_dma source(%arg6 : memref<10240xf32, #tpu.memory_space<vmem>>) target(%dma_start3A_49 : memref<10240xf32, #tpu.memory_space<vmem_shared>>) target_semaphore(%arg18 : memref<!tpu.dma_semaphore, #tpu.memory_space<semaphore_mem>>)
    %dma_start3A_50 = arith.constant 0 : i32
    %dma_start3A_51 = tpu.memref_slice %arg17[%arg1, %dma_start3A_50] : memref<16x10240xf32, #tpu.memory_space<vmem_shared>> -> memref<1x10240xf32, #tpu.memory_space<vmem_shared>>
    %dma_start3A_52 = tpu.memref_squeeze %dma_start3A_51 : memref<1x10240xf32, #tpu.memory_space<vmem_shared>> -> memref<10240xf32, #tpu.memory_space<vmem_shared>>
    %dma_start3A_53 = arith.constant 0 : i32
    %dma_start3A_54 = tpu.memref_slice %arg17[%arg1, %dma_start3A_53] : memref<16x10240xf32, #tpu.memory_space<vmem_shared>> -> memref<1x10240xf32, #tpu.memory_space<vmem_shared>>
    %dma_start3A_55 = tpu.memref_squeeze %dma_start3A_54 : memref<1x10240xf32, #tpu.memory_space<vmem_shared>> -> memref<10240xf32, #tpu.memory_space<vmem_shared>>
    tpu.enqueue_dma source(%arg7 : memref<10240xf32, #tpu.memory_space<vmem>>) target(%dma_start3A_55 : memref<10240xf32, #tpu.memory_space<vmem_shared>>) target_semaphore(%arg19 : memref<!tpu.dma_semaphore, #tpu.memory_space<semaphore_mem>>)
    %dma_wait3A_56 = arith.constant 0 : i32
    %dma_wait3A_57 = tpu.memref_slice %arg16[%arg1, %dma_wait3A_56] : memref<16x10240xf32, #tpu.memory_space<vmem_shared>> -> memref<1x10240xf32, #tpu.memory_space<vmem_shared>>
    %dma_wait3A_58 = tpu.memref_squeeze %dma_wait3A_57 : memref<1x10240xf32, #tpu.memory_space<vmem_shared>> -> memref<10240xf32, #tpu.memory_space<vmem_shared>>
    %dma_wait3A_59 = arith.constant 0 : i32
    %dma_wait3A_60 = tpu.memref_slice %arg16[%arg1, %dma_wait3A_59] : memref<16x10240xf32, #tpu.memory_space<vmem_shared>> -> memref<1x10240xf32, #tpu.memory_space<vmem_shared>>
    %dma_wait3A_61 = tpu.memref_squeeze %dma_wait3A_60 : memref<1x10240xf32, #tpu.memory_space<vmem_shared>> -> memref<10240xf32, #tpu.memory_space<vmem_shared>>
    tpu.wait_dma2 semaphore(%arg18 : memref<!tpu.dma_semaphore, #tpu.memory_space<semaphore_mem>>) src(%arg6 : memref<10240xf32, #tpu.memory_space<vmem>>) dst(%dma_wait3A_61 : memref<10240xf32, #tpu.memory_space<vmem_shared>>)
    %dma_wait3A_62 = arith.constant 0 : i32
    %dma_wait3A_63 = tpu.memref_slice %arg17[%arg1, %dma_wait3A_62] : memref<16x10240xf32, #tpu.memory_space<vmem_shared>> -> memref<1x10240xf32, #tpu.memory_space<vmem_shared>>
    %dma_wait3A_64 = tpu.memref_squeeze %dma_wait3A_63 : memref<1x10240xf32, #tpu.memory_space<vmem_shared>> -> memref<10240xf32, #tpu.memory_space<vmem_shared>>
    %dma_wait3A_65 = arith.constant 0 : i32
    %dma_wait3A_66 = tpu.memref_slice %arg17[%arg1, %dma_wait3A_65] : memref<16x10240xf32, #tpu.memory_space<vmem_shared>> -> memref<1x10240xf32, #tpu.memory_space<vmem_shared>>
    %dma_wait3A_67 = tpu.memref_squeeze %dma_wait3A_66 : memref<1x10240xf32, #tpu.memory_space<vmem_shared>> -> memref<10240xf32, #tpu.memory_space<vmem_shared>>
    tpu.wait_dma2 semaphore(%arg19 : memref<!tpu.dma_semaphore, #tpu.memory_space<semaphore_mem>>) src(%arg7 : memref<10240xf32, #tpu.memory_space<vmem>>) dst(%dma_wait3A_67 : memref<10240xf32, #tpu.memory_space<vmem_shared>>)
    %barrier3A = arith.constant 0 : index
    tpu.barrier barrier_id(%barrier3A)
    %mul3A_68 = arith.constant 640 : i32
    %mul3A_69 = arith.muli %arg1, %mul3A_68 : i32
    %dma_start3A_70 = arith.constant 0 : i32
    %dma_start3A_71 = tpu.memref_slice %arg16[%dma_start3A_70, %mul3A_69] : memref<16x10240xf32, #tpu.memory_space<vmem_shared>> -> memref<16x640xf32, #tpu.memory_space<vmem_shared>>
    %dma_start3A_72 = arith.constant 0 : i32
    %dma_start3A_73 = tpu.memref_slice %arg16[%dma_start3A_72, %mul3A_69] : memref<16x10240xf32, #tpu.memory_space<vmem_shared>> -> memref<16x640xf32, #tpu.memory_space<vmem_shared>>
    tpu.enqueue_dma source(%dma_start3A_73 : memref<16x640xf32, #tpu.memory_space<vmem_shared>>) target(%arg12 : memref<16x640xf32, #tpu.memory_space<vmem>>) target_semaphore(%arg18 : memref<!tpu.dma_semaphore, #tpu.memory_space<semaphore_mem>>)
    %dma_start3A_74 = arith.constant 0 : i32
    %dma_start3A_75 = tpu.memref_slice %arg17[%dma_start3A_74, %mul3A_69] : memref<16x10240xf32, #tpu.memory_space<vmem_shared>> -> memref<16x640xf32, #tpu.memory_space<vmem_shared>>
    %dma_start3A_76 = arith.constant 0 : i32
    %dma_start3A_77 = tpu.memref_slice %arg17[%dma_start3A_76, %mul3A_69] : memref<16x10240xf32, #tpu.memory_space<vmem_shared>> -> memref<16x640xf32, #tpu.memory_space<vmem_shared>>
    tpu.enqueue_dma source(%dma_start3A_77 : memref<16x640xf32, #tpu.memory_space<vmem_shared>>) target(%arg13 : memref<16x640xf32, #tpu.memory_space<vmem>>) target_semaphore(%arg19 : memref<!tpu.dma_semaphore, #tpu.memory_space<semaphore_mem>>)
    %dma_wait3A_78 = arith.constant 0 : i32
    %dma_wait3A_79 = tpu.memref_slice %arg16[%dma_wait3A_78, %mul3A_69] : memref<16x10240xf32, #tpu.memory_space<vmem_shared>> -> memref<16x640xf32, #tpu.memory_space<vmem_shared>>
    %dma_wait3A_80 = arith.constant 0 : i32
    %dma_wait3A_81 = tpu.memref_slice %arg16[%dma_wait3A_80, %mul3A_69] : memref<16x10240xf32, #tpu.memory_space<vmem_shared>> -> memref<16x640xf32, #tpu.memory_space<vmem_shared>>
    tpu.wait_dma2 semaphore(%arg18 : memref<!tpu.dma_semaphore, #tpu.memory_space<semaphore_mem>>) src(%dma_wait3A_81 : memref<16x640xf32, #tpu.memory_space<vmem_shared>>) dst(%arg12 : memref<16x640xf32, #tpu.memory_space<vmem>>)
    %scan3A_82 = arith.constant 0 : i32
    %scan3A_83 = arith.constant 0 : i32
    %scan3A_84 = arith.constant 40 : i32
    %scan3A_85 = arith.addi %scan3A_83, %scan3A_84 : i32
    %scan3A_86 = arith.constant 1 : i32
    %scan3A_87 = scf.for %scan3A_116 = %scan3A_83 to %scan3A_85 step %scan3A_86 iter_args(%scan3A_117 = %scan3A_82) -> (i32)  : i32 {
      %mul3A_118 = arith.constant 16 : i32
      %mul3A_119 = arith.muli %scan3A_116, %mul3A_118 : i32
      %get3A = arith.constant 0 : i32
      %get3A_120 = arith.index_cast %get3A : i32 to index
      %get3A_121 = arith.index_cast %mul3A_119 : i32 to index
      %get3A_122 = tpu.vector_load %arg12[%get3A_120, %get3A_121] {strides = array<i32>} : memref<16x640xf32, #tpu.memory_space<vmem>>, vector<16xf32>,
      %mul3A_123 = arith.constant 16 : i32
      %mul3A_124 = arith.muli %scan3A_116, %mul3A_123 : i32
      %get3A_125 = arith.constant 1 : i32
      %get3A_126 = arith.index_cast %get3A_125 : i32 to index
      %get3A_127 = arith.index_cast %mul3A_124 : i32 to index
      %get3A_128 = tpu.vector_load %arg12[%get3A_126, %get3A_127] {strides = array<i32>} : memref<16x640xf32, #tpu.memory_space<vmem>>, vector<16xf32>,
      %add3A_129 = arith.addf %get3A_122, %get3A_128 : vector<16xf32>
      %mul3A_130 = arith.constant 16 : i32
      %mul3A_131 = arith.muli %scan3A_116, %mul3A_130 : i32
      %get3A_132 = arith.constant 2 : i32
      %get3A_133 = arith.index_cast %get3A_132 : i32 to index
      %get3A_134 = arith.index_cast %mul3A_131 : i32 to index
      %get3A_135 = tpu.vector_load %arg12[%get3A_133, %get3A_134] {strides = array<i32>} : memref<16x640xf32, #tpu.memory_space<vmem>>, vector<16xf32>,
      %add3A_136 = arith.addf %add3A_129, %get3A_135 : vector<16xf32>
      %mul3A_137 = arith.constant 16 : i32
      %mul3A_138 = arith.muli %scan3A_116, %mul3A_137 : i32
      %get3A_139 = arith.constant 3 : i32
      %get3A_140 = arith.index_cast %get3A_139 : i32 to index
      %get3A_141 = arith.index_cast %mul3A_138 : i32 to index
      %get3A_142 = tpu.vector_load %arg12[%get3A_140, %get3A_141] {strides = array<i32>} : memref<16x640xf32, #tpu.memory_space<vmem>>, vector<16xf32>,
      %add3A_143 = arith.addf %add3A_136, %get3A_142 : vector<16xf32>
      %mul3A_144 = arith.constant 16 : i32
      %mul3A_145 = arith.muli %scan3A_116, %mul3A_144 : i32
      %get3A_146 = arith.constant 4 : i32
      %get3A_147 = arith.index_cast %get3A_146 : i32 to index
      %get3A_148 = arith.index_cast %mul3A_145 : i32 to index
      %get3A_149 = tpu.vector_load %arg12[%get3A_147, %get3A_148] {strides = array<i32>} : memref<16x640xf32, #tpu.memory_space<vmem>>, vector<16xf32>,
      %add3A_150 = arith.addf %add3A_143, %get3A_149 : vector<16xf32>
      %mul3A_151 = arith.constant 16 : i32
      %mul3A_152 = arith.muli %scan3A_116, %mul3A_151 : i32
      %get3A_153 = arith.constant 5 : i32
      %get3A_154 = arith.index_cast %get3A_153 : i32 to index
      %get3A_155 = arith.index_cast %mul3A_152 : i32 to index
      %get3A_156 = tpu.vector_load %arg12[%get3A_154, %get3A_155] {strides = array<i32>} : memref<16x640xf32, #tpu.memory_space<vmem>>, vector<16xf32>,
      %add3A_157 = arith.addf %add3A_150, %get3A_156 : vector<16xf32>
      %mul3A_158 = arith.constant 16 : i32
      %mul3A_159 = arith.muli %scan3A_116, %mul3A_158 : i32
      %get3A_160 = arith.constant 6 : i32
      %get3A_161 = arith.index_cast %get3A_160 : i32 to index
      %get3A_162 = arith.index_cast %mul3A_159 : i32 to index
      %get3A_163 = tpu.vector_load %arg12[%get3A_161, %get3A_162] {strides = array<i32>} : memref<16x640xf32, #tpu.memory_space<vmem>>, vector<16xf32>,
      %add3A_164 = arith.addf %add3A_157, %get3A_163 : vector<16xf32>
      %mul3A_165 = arith.constant 16 : i32
      %mul3A_166 = arith.muli %scan3A_116, %mul3A_165 : i32
      %get3A_167 = arith.constant 7 : i32
      %get3A_168 = arith.index_cast %get3A_167 : i32 to index
      %get3A_169 = arith.index_cast %mul3A_166 : i32 to index
      %get3A_170 = tpu.vector_load %arg12[%get3A_168, %get3A_169] {strides = array<i32>} : memref<16x640xf32, #tpu.memory_space<vmem>>, vector<16xf32>,
      %add3A_171 = arith.addf %add3A_164, %get3A_170 : vector<16xf32>
      %mul3A_172 = arith.constant 16 : i32
      %mul3A_173 = arith.muli %scan3A_116, %mul3A_172 : i32
      %get3A_174 = arith.constant 8 : i32
      %get3A_175 = arith.index_cast %get3A_174 : i32 to index
      %get3A_176 = arith.index_cast %mul3A_173 : i32 to index
      %get3A_177 = tpu.vector_load %arg12[%get3A_175, %get3A_176] {strides = array<i32>} : memref<16x640xf32, #tpu.memory_space<vmem>>, vector<16xf32>,
      %add3A_178 = arith.addf %add3A_171, %get3A_177 : vector<16xf32>
      %mul3A_179 = arith.constant 16 : i32
      %mul3A_180 = arith.muli %scan3A_116, %mul3A_179 : i32
      %get3A_181 = arith.constant 9 : i32
      %get3A_182 = arith.index_cast %get3A_181 : i32 to index
      %get3A_183 = arith.index_cast %mul3A_180 : i32 to index
      %get3A_184 = tpu.vector_load %arg12[%get3A_182, %get3A_183] {strides = array<i32>} : memref<16x640xf32, #tpu.memory_space<vmem>>, vector<16xf32>,
      %add3A_185 = arith.addf %add3A_178, %get3A_184 : vector<16xf32>
      %mul3A_186 = arith.constant 16 : i32
      %mul3A_187 = arith.muli %scan3A_116, %mul3A_186 : i32
      %get3A_188 = arith.constant 10 : i32
      %get3A_189 = arith.index_cast %get3A_188 : i32 to index
      %get3A_190 = arith.index_cast %mul3A_187 : i32 to index
      %get3A_191 = tpu.vector_load %arg12[%get3A_189, %get3A_190] {strides = array<i32>} : memref<16x640xf32, #tpu.memory_space<vmem>>, vector<16xf32>,
      %add3A_192 = arith.addf %add3A_185, %get3A_191 : vector<16xf32>
      %mul3A_193 = arith.constant 16 : i32
      %mul3A_194 = arith.muli %scan3A_116, %mul3A_193 : i32
      %get3A_195 = arith.constant 11 : i32
      %get3A_196 = arith.index_cast %get3A_195 : i32 to index
      %get3A_197 = arith.index_cast %mul3A_194 : i32 to index
      %get3A_198 = tpu.vector_load %arg12[%get3A_196, %get3A_197] {strides = array<i32>} : memref<16x640xf32, #tpu.memory_space<vmem>>, vector<16xf32>,
      %add3A_199 = arith.addf %add3A_192, %get3A_198 : vector<16xf32>
      %mul3A_200 = arith.constant 16 : i32
      %mul3A_201 = arith.muli %scan3A_116, %mul3A_200 : i32
      %get3A_202 = arith.constant 12 : i32
      %get3A_203 = arith.index_cast %get3A_202 : i32 to index
      %get3A_204 = arith.index_cast %mul3A_201 : i32 to index
      %get3A_205 = tpu.vector_load %arg12[%get3A_203, %get3A_204] {strides = array<i32>} : memref<16x640xf32, #tpu.memory_space<vmem>>, vector<16xf32>,
      %add3A_206 = arith.addf %add3A_199, %get3A_205 : vector<16xf32>
      %mul3A_207 = arith.constant 16 : i32
      %mul3A_208 = arith.muli %scan3A_116, %mul3A_207 : i32
      %get3A_209 = arith.constant 13 : i32
      %get3A_210 = arith.index_cast %get3A_209 : i32 to index
      %get3A_211 = arith.index_cast %mul3A_208 : i32 to index
      %get3A_212 = tpu.vector_load %arg12[%get3A_210, %get3A_211] {strides = array<i32>} : memref<16x640xf32, #tpu.memory_space<vmem>>, vector<16xf32>,
      %add3A_213 = arith.addf %add3A_206, %get3A_212 : vector<16xf32>
      %mul3A_214 = arith.constant 16 : i32
      %mul3A_215 = arith.muli %scan3A_116, %mul3A_214 : i32
      %get3A_216 = arith.constant 14 : i32
      %get3A_217 = arith.index_cast %get3A_216 : i32 to index
      %get3A_218 = arith.index_cast %mul3A_215 : i32 to index
      %get3A_219 = tpu.vector_load %arg12[%get3A_217, %get3A_218] {strides = array<i32>} : memref<16x640xf32, #tpu.memory_space<vmem>>, vector<16xf32>,
      %add3A_220 = arith.addf %add3A_213, %get3A_219 : vector<16xf32>
      %mul3A_221 = arith.constant 16 : i32
      %mul3A_222 = arith.muli %scan3A_116, %mul3A_221 : i32
      %get3A_223 = arith.constant 15 : i32
      %get3A_224 = arith.index_cast %get3A_223 : i32 to index
      %get3A_225 = arith.index_cast %mul3A_222 : i32 to index
      %get3A_226 = tpu.vector_load %arg12[%get3A_224, %get3A_225] {strides = array<i32>} : memref<16x640xf32, #tpu.memory_space<vmem>>, vector<16xf32>,
      %add3A_227 = arith.addf %add3A_220, %get3A_226 : vector<16xf32>
      %mul3A_228 = arith.constant 16 : i32
      %mul3A_229 = arith.muli %scan3A_116, %mul3A_228 : i32
      %swap3A = arith.index_cast %mul3A_229 : i32 to index
      %swap3A_230 = tpu.vector_load %arg14[%swap3A] {strides = array<i32>} : memref<640xf32, #tpu.memory_space<vmem>>, vector<16xf32>,
      tpu.vector_store %arg14[%swap3A], %add3A_227 {strides = array<i32>} : memref<640xf32, #tpu.memory_space<vmem>>, vector<16xf32>,
      %scan3A_231 = arith.constant 0 : i32
      scf.yield %scan3A_231 : i32
    }
    %scan3A_88 = arith.constant 40 : i32
    %dma_start3A_89 = tpu.memref_slice %arg4[%arg0, %mul3A_69] : memref<2x10240xf32, #tpu.memory_space<hbm>> -> memref<1x640xf32, #tpu.memory_space<hbm>>
    %dma_start3A_90 = tpu.memref_squeeze %dma_start3A_89 : memref<1x640xf32, #tpu.memory_space<hbm>> -> memref<640xf32, #tpu.memory_space<hbm>>
    %dma_start3A_91 = tpu.memref_slice %arg4[%arg0, %mul3A_69] : memref<2x10240xf32, #tpu.memory_space<hbm>> -> memref<1x640xf32, #tpu.memory_space<hbm>>
    %dma_start3A_92 = tpu.memref_squeeze %dma_start3A_91 : memref<1x640xf32, #tpu.memory_space<hbm>> -> memref<640xf32, #tpu.memory_space<hbm>>
    tpu.enqueue_dma source(%arg14 : memref<640xf32, #tpu.memory_space<vmem>>) target(%dma_start3A_92 : memref<640xf32, #tpu.memory_space<hbm>>) target_semaphore(%arg18 : memref<!tpu.dma_semaphore, #tpu.memory_space<semaphore_mem>>)
    %dma_wait3A_93 = arith.constant 0 : i32
    %dma_wait3A_94 = tpu.memref_slice %arg17[%dma_wait3A_93, %mul3A_69] : memref<16x10240xf32, #tpu.memory_space<vmem_shared>> -> memref<16x640xf32, #tpu.memory_space<vmem_shared>>
    %dma_wait3A_95 = arith.constant 0 : i32
    %dma_wait3A_96 = tpu.memref_slice %arg17[%dma_wait3A_95, %mul3A_69] : memref<16x10240xf32, #tpu.memory_space<vmem_shared>> -> memref<16x640xf32, #tpu.memory_space<vmem_shared>>
    tpu.wait_dma2 semaphore(%arg19 : memref<!tpu.dma_semaphore, #tpu.memory_space<semaphore_mem>>) src(%dma_wait3A_96 : memref<16x640xf32, #tpu.memory_space<vmem_shared>>) dst(%arg13 : memref<16x640xf32, #tpu.memory_space<vmem>>)
    %scan3A_97 = arith.constant 0 : i32
    %scan3A_98 = arith.constant 0 : i32
    %scan3A_99 = arith.constant 40 : i32
    %scan3A_100 = arith.addi %scan3A_98, %scan3A_99 : i32
    %scan3A_101 = arith.constant 1 : i32
    %scan3A_102 = scf.for %scan3A_116 = %scan3A_98 to %scan3A_100 step %scan3A_101 iter_args(%scan3A_117 = %scan3A_97) -> (i32)  : i32 {
      %mul3A_118 = arith.constant 16 : i32
      %mul3A_119 = arith.muli %scan3A_116, %mul3A_118 : i32
      %get3A = arith.constant 0 : i32
      %get3A_120 = arith.index_cast %get3A : i32 to index
      %get3A_121 = arith.index_cast %mul3A_119 : i32 to index
      %get3A_122 = tpu.vector_load %arg13[%get3A_120, %get3A_121] {strides = array<i32>} : memref<16x640xf32, #tpu.memory_space<vmem>>, vector<16xf32>,
      %mul3A_123 = arith.constant 16 : i32
      %mul3A_124 = arith.muli %scan3A_116, %mul3A_123 : i32
      %get3A_125 = arith.constant 1 : i32
      %get3A_126 = arith.index_cast %get3A_125 : i32 to index
      %get3A_127 = arith.index_cast %mul3A_124 : i32 to index
      %get3A_128 = tpu.vector_load %arg13[%get3A_126, %get3A_127] {strides = array<i32>} : memref<16x640xf32, #tpu.memory_space<vmem>>, vector<16xf32>,
      %add3A_129 = arith.addf %get3A_122, %get3A_128 : vector<16xf32>
      %mul3A_130 = arith.constant 16 : i32
      %mul3A_131 = arith.muli %scan3A_116, %mul3A_130 : i32
      %get3A_132 = arith.constant 2 : i32
      %get3A_133 = arith.index_cast %get3A_132 : i32 to index
      %get3A_134 = arith.index_cast %mul3A_131 : i32 to index
      %get3A_135 = tpu.vector_load %arg13[%get3A_133, %get3A_134] {strides = array<i32>} : memref<16x640xf32, #tpu.memory_space<vmem>>, vector<16xf32>,
      %add3A_136 = arith.addf %add3A_129, %get3A_135 : vector<16xf32>
      %mul3A_137 = arith.constant 16 : i32
      %mul3A_138 = arith.muli %scan3A_116, %mul3A_137 : i32
      %get3A_139 = arith.constant 3 : i32
      %get3A_140 = arith.index_cast %get3A_139 : i32 to index
      %get3A_141 = arith.index_cast %mul3A_138 : i32 to index
      %get3A_142 = tpu.vector_load %arg13[%get3A_140, %get3A_141] {strides = array<i32>} : memref<16x640xf32, #tpu.memory_space<vmem>>, vector<16xf32>,
      %add3A_143 = arith.addf %add3A_136, %get3A_142 : vector<16xf32>
      %mul3A_144 = arith.constant 16 : i32
      %mul3A_145 = arith.muli %scan3A_116, %mul3A_144 : i32
      %get3A_146 = arith.constant 4 : i32
      %get3A_147 = arith.index_cast %get3A_146 : i32 to index
      %get3A_148 = arith.index_cast %mul3A_145 : i32 to index
      %get3A_149 = tpu.vector_load %arg13[%get3A_147, %get3A_148] {strides = array<i32>} : memref<16x640xf32, #tpu.memory_space<vmem>>, vector<16xf32>,
      %add3A_150 = arith.addf %add3A_143, %get3A_149 : vector<16xf32>
      %mul3A_151 = arith.constant 16 : i32
      %mul3A_152 = arith.muli %scan3A_116, %mul3A_151 : i32
      %get3A_153 = arith.constant 5 : i32
      %get3A_154 = arith.index_cast %get3A_153 : i32 to index
      %get3A_155 = arith.index_cast %mul3A_152 : i32 to index
      %get3A_156 = tpu.vector_load %arg13[%get3A_154, %get3A_155] {strides = array<i32>} : memref<16x640xf32, #tpu.memory_space<vmem>>, vector<16xf32>,
      %add3A_157 = arith.addf %add3A_150, %get3A_156 : vector<16xf32>
      %mul3A_158 = arith.constant 16 : i32
      %mul3A_159 = arith.muli %scan3A_116, %mul3A_158 : i32
      %get3A_160 = arith.constant 6 : i32
      %get3A_161 = arith.index_cast %get3A_160 : i32 to index
      %get3A_162 = arith.index_cast %mul3A_159 : i32 to index
      %get3A_163 = tpu.vector_load %arg13[%get3A_161, %get3A_162] {strides = array<i32>} : memref<16x640xf32, #tpu.memory_space<vmem>>, vector<16xf32>,
      %add3A_164 = arith.addf %add3A_157, %get3A_163 : vector<16xf32>
      %mul3A_165 = arith.constant 16 : i32
      %mul3A_166 = arith.muli %scan3A_116, %mul3A_165 : i32
      %get3A_167 = arith.constant 7 : i32
      %get3A_168 = arith.index_cast %get3A_167 : i32 to index
      %get3A_169 = arith.index_cast %mul3A_166 : i32 to index
      %get3A_170 = tpu.vector_load %arg13[%get3A_168, %get3A_169] {strides = array<i32>} : memref<16x640xf32, #tpu.memory_space<vmem>>, vector<16xf32>,
      %add3A_171 = arith.addf %add3A_164, %get3A_170 : vector<16xf32>
      %mul3A_172 = arith.constant 16 : i32
      %mul3A_173 = arith.muli %scan3A_116, %mul3A_172 : i32
      %get3A_174 = arith.constant 8 : i32
      %get3A_175 = arith.index_cast %get3A_174 : i32 to index
      %get3A_176 = arith.index_cast %mul3A_173 : i32 to index
      %get3A_177 = tpu.vector_load %arg13[%get3A_175, %get3A_176] {strides = array<i32>} : memref<16x640xf32, #tpu.memory_space<vmem>>, vector<16xf32>,
      %add3A_178 = arith.addf %add3A_171, %get3A_177 : vector<16xf32>
      %mul3A_179 = arith.constant 16 : i32
      %mul3A_180 = arith.muli %scan3A_116, %mul3A_179 : i32
      %get3A_181 = arith.constant 9 : i32
      %get3A_182 = arith.index_cast %get3A_181 : i32 to index
      %get3A_183 = arith.index_cast %mul3A_180 : i32 to index
      %get3A_184 = tpu.vector_load %arg13[%get3A_182, %get3A_183] {strides = array<i32>} : memref<16x640xf32, #tpu.memory_space<vmem>>, vector<16xf32>,
      %add3A_185 = arith.addf %add3A_178, %get3A_184 : vector<16xf32>
      %mul3A_186 = arith.constant 16 : i32
      %mul3A_187 = arith.muli %scan3A_116, %mul3A_186 : i32
      %get3A_188 = arith.constant 10 : i32
      %get3A_189 = arith.index_cast %get3A_188 : i32 to index
      %get3A_190 = arith.index_cast %mul3A_187 : i32 to index
      %get3A_191 = tpu.vector_load %arg13[%get3A_189, %get3A_190] {strides = array<i32>} : memref<16x640xf32, #tpu.memory_space<vmem>>, vector<16xf32>,
      %add3A_192 = arith.addf %add3A_185, %get3A_191 : vector<16xf32>
      %mul3A_193 = arith.constant 16 : i32
      %mul3A_194 = arith.muli %scan3A_116, %mul3A_193 : i32
      %get3A_195 = arith.constant 11 : i32
      %get3A_196 = arith.index_cast %get3A_195 : i32 to index
      %get3A_197 = arith.index_cast %mul3A_194 : i32 to index
      %get3A_198 = tpu.vector_load %arg13[%get3A_196, %get3A_197] {strides = array<i32>} : memref<16x640xf32, #tpu.memory_space<vmem>>, vector<16xf32>,
      %add3A_199 = arith.addf %add3A_192, %get3A_198 : vector<16xf32>
      %mul3A_200 = arith.constant 16 : i32
      %mul3A_201 = arith.muli %scan3A_116, %mul3A_200 : i32
      %get3A_202 = arith.constant 12 : i32
      %get3A_203 = arith.index_cast %get3A_202 : i32 to index
      %get3A_204 = arith.index_cast %mul3A_201 : i32 to index
      %get3A_205 = tpu.vector_load %arg13[%get3A_203, %get3A_204] {strides = array<i32>} : memref<16x640xf32, #tpu.memory_space<vmem>>, vector<16xf32>,
      %add3A_206 = arith.addf %add3A_199, %get3A_205 : vector<16xf32>
      %mul3A_207 = arith.constant 16 : i32
      %mul3A_208 = arith.muli %scan3A_116, %mul3A_207 : i32
      %get3A_209 = arith.constant 13 : i32
      %get3A_210 = arith.index_cast %get3A_209 : i32 to index
      %get3A_211 = arith.index_cast %mul3A_208 : i32 to index
      %get3A_212 = tpu.vector_load %arg13[%get3A_210, %get3A_211] {strides = array<i32>} : memref<16x640xf32, #tpu.memory_space<vmem>>, vector<16xf32>,
      %add3A_213 = arith.addf %add3A_206, %get3A_212 : vector<16xf32>
      %mul3A_214 = arith.constant 16 : i32
      %mul3A_215 = arith.muli %scan3A_116, %mul3A_214 : i32
      %get3A_216 = arith.constant 14 : i32
      %get3A_217 = arith.index_cast %get3A_216 : i32 to index
      %get3A_218 = arith.index_cast %mul3A_215 : i32 to index
      %get3A_219 = tpu.vector_load %arg13[%get3A_217, %get3A_218] {strides = array<i32>} : memref<16x640xf32, #tpu.memory_space<vmem>>, vector<16xf32>,
      %add3A_220 = arith.addf %add3A_213, %get3A_219 : vector<16xf32>
      %mul3A_221 = arith.constant 16 : i32
      %mul3A_222 = arith.muli %scan3A_116, %mul3A_221 : i32
      %get3A_223 = arith.constant 15 : i32
      %get3A_224 = arith.index_cast %get3A_223 : i32 to index
      %get3A_225 = arith.index_cast %mul3A_222 : i32 to index
      %get3A_226 = tpu.vector_load %arg13[%get3A_224, %get3A_225] {strides = array<i32>} : memref<16x640xf32, #tpu.memory_space<vmem>>, vector<16xf32>,
      %add3A_227 = arith.addf %add3A_220, %get3A_226 : vector<16xf32>
      %mul3A_228 = arith.constant 16 : i32
      %mul3A_229 = arith.muli %scan3A_116, %mul3A_228 : i32
      %swap3A = arith.index_cast %mul3A_229 : i32 to index
      %swap3A_230 = tpu.vector_load %arg15[%swap3A] {strides = array<i32>} : memref<640xf32, #tpu.memory_space<vmem>>, vector<16xf32>,
      tpu.vector_store %arg15[%swap3A], %add3A_227 {strides = array<i32>} : memref<640xf32, #tpu.memory_space<vmem>>, vector<16xf32>,
      %scan3A_231 = arith.constant 0 : i32
      scf.yield %scan3A_231 : i32
    }
    %scan3A_103 = arith.constant 40 : i32
    %dma_start3A_104 = tpu.memref_slice %arg5[%arg0, %mul3A_69] : memref<2x10240xf32, #tpu.memory_space<hbm>> -> memref<1x640xf32, #tpu.memory_space<hbm>>
    %dma_start3A_105 = tpu.memref_squeeze %dma_start3A_104 : memref<1x640xf32, #tpu.memory_space<hbm>> -> memref<640xf32, #tpu.memory_space<hbm>>
    %dma_start3A_106 = tpu.memref_slice %arg5[%arg0, %mul3A_69] : memref<2x10240xf32, #tpu.memory_space<hbm>> -> memref<1x640xf32, #tpu.memory_space<hbm>>
    %dma_start3A_107 = tpu.memref_squeeze %dma_start3A_106 : memref<1x640xf32, #tpu.memory_space<hbm>> -> memref<640xf32, #tpu.memory_space<hbm>>
    tpu.enqueue_dma source(%arg15 : memref<640xf32, #tpu.memory_space<vmem>>) target(%dma_start3A_107 : memref<640xf32, #tpu.memory_space<hbm>>) target_semaphore(%arg19 : memref<!tpu.dma_semaphore, #tpu.memory_space<semaphore_mem>>)
    %dma_wait3A_108 = tpu.memref_slice %arg4[%arg0, %mul3A_69] : memref<2x10240xf32, #tpu.memory_space<hbm>> -> memref<1x640xf32, #tpu.memory_space<hbm>>
    %dma_wait3A_109 = tpu.memref_squeeze %dma_wait3A_108 : memref<1x640xf32, #tpu.memory_space<hbm>> -> memref<640xf32, #tpu.memory_space<hbm>>
    %dma_wait3A_110 = tpu.memref_slice %arg4[%arg0, %mul3A_69] : memref<2x10240xf32, #tpu.memory_space<hbm>> -> memref<1x640xf32, #tpu.memory_space<hbm>>
    %dma_wait3A_111 = tpu.memref_squeeze %dma_wait3A_110 : memref<1x640xf32, #tpu.memory_space<hbm>> -> memref<640xf32, #tpu.memory_space<hbm>>
    tpu.wait_dma2 semaphore(%arg18 : memref<!tpu.dma_semaphore, #tpu.memory_space<semaphore_mem>>) src(%arg14 : memref<640xf32, #tpu.memory_space<vmem>>) dst(%dma_wait3A_111 : memref<640xf32, #tpu.memory_space<hbm>>)
    %dma_wait3A_112 = tpu.memref_slice %arg5[%arg0, %mul3A_69] : memref<2x10240xf32, #tpu.memory_space<hbm>> -> memref<1x640xf32, #tpu.memory_space<hbm>>
    %dma_wait3A_113 = tpu.memref_squeeze %dma_wait3A_112 : memref<1x640xf32, #tpu.memory_space<hbm>> -> memref<640xf32, #tpu.memory_space<hbm>>
    %dma_wait3A_114 = tpu.memref_slice %arg5[%arg0, %mul3A_69] : memref<2x10240xf32, #tpu.memory_space<hbm>> -> memref<1x640xf32, #tpu.memory_space<hbm>>
    %dma_wait3A_115 = tpu.memref_squeeze %dma_wait3A_114 : memref<1x640xf32, #tpu.memory_space<hbm>> -> memref<640xf32, #tpu.memory_space<hbm>>
    tpu.wait_dma2 semaphore(%arg19 : memref<!tpu.dma_semaphore, #tpu.memory_space<semaphore_mem>>) src(%arg15 : memref<640xf32, #tpu.memory_space<vmem>>) dst(%dma_wait3A_115 : memref<640xf32, #tpu.memory_space<hbm>>)
    return
  }
}

module attributes {stable_mosaic.version = 14 : i64} {
  func.func @_finish_tc(%arg0: memref<2x80x128xf32, #tpu.memory_space<vmem>>, %arg1: memref<2x80x128xf32, #tpu.memory_space<vmem>>, %arg2: memref<80x128xf32, #tpu.memory_space<vmem>>, %arg3: memref<1x1xf32, #tpu.memory_space<vmem>>) attributes {dimension_semantics = [], scalar_prefetch = 0 : i64, scratch_operands = 0 : i64, tpu.core_type = #tpu.core_type<tc>} {
    %get3A = arith.constant 0 : index
    %get3A_0 = arith.constant 0 : index
    %get3A_1 = arith.constant 0 : index
    %get3A_2 = vector.load %arg0[%get3A, %get3A_0, %get3A_1] : memref<2x80x128xf32, #tpu.memory_space<vmem>>, vector<1x80x128xf32>
    %get3A_3 = vector.shape_cast %get3A_2 : vector<1x80x128xf32> to vector<80x128xf32>
    %get3A_4 = arith.constant 1 : index
    %get3A_5 = arith.constant 0 : index
    %get3A_6 = arith.constant 0 : index
    %get3A_7 = vector.load %arg0[%get3A_4, %get3A_5, %get3A_6] : memref<2x80x128xf32, #tpu.memory_space<vmem>>, vector<1x80x128xf32>
    %get3A_8 = vector.shape_cast %get3A_7 : vector<1x80x128xf32> to vector<80x128xf32>
    %add3A = arith.addf %get3A_3, %get3A_8 : vector<80x128xf32>
    %get3A_9 = arith.constant 0 : index
    %get3A_10 = arith.constant 0 : index
    %get3A_11 = arith.constant 0 : index
    %get3A_12 = vector.load %arg1[%get3A_9, %get3A_10, %get3A_11] : memref<2x80x128xf32, #tpu.memory_space<vmem>>, vector<1x80x128xf32>
    %get3A_13 = vector.shape_cast %get3A_12 : vector<1x80x128xf32> to vector<80x128xf32>
    %get3A_14 = arith.constant 1 : index
    %get3A_15 = arith.constant 0 : index
    %get3A_16 = arith.constant 0 : index
    %get3A_17 = vector.load %arg1[%get3A_14, %get3A_15, %get3A_16] : memref<2x80x128xf32, #tpu.memory_space<vmem>>, vector<1x80x128xf32>
    %get3A_18 = vector.shape_cast %get3A_17 : vector<1x80x128xf32> to vector<80x128xf32>
    %add3A_19 = arith.addf %get3A_13, %get3A_18 : vector<80x128xf32>
    %max3A = arith.constant 1.000000e+00 : f32
    %max3A_20 = vector.broadcast %max3A : f32 to vector<80x128xf32>
    %max3A_21 = arith.maximumf %add3A_19, %max3A_20 : vector<80x128xf32>
    %div3A = arith.divf %add3A, %max3A_21 : vector<80x128xf32>
    %get3A_22 = arith.constant 0 : index
    %get3A_23 = arith.constant 0 : index
    %get3A_24 = vector.load %arg2[%get3A_22, %get3A_23] : memref<80x128xf32, #tpu.memory_space<vmem>>, vector<80x128xf32>
    %mul3A = arith.constant 0.00999999977 : f32
    %mul3A_25 = vector.broadcast %mul3A : f32 to vector<80x128xf32>
    %mul3A_26 = arith.mulf %mul3A_25, %div3A : vector<80x128xf32>
    %exp3A = math.exp %mul3A_26 : vector<80x128xf32>
    %mul3A_27 = arith.mulf %get3A_24, %exp3A : vector<80x128xf32>
    %reduce_sum3A = vector.shape_cast %mul3A_27 : vector<80x128xf32> to vector<1x80x128xf32>
    %reduce_sum3A_28 = arith.constant dense<0.000000e+00> : vector<1xf32>
    %reduce_sum3A_29 = vector.multi_reduction <add>, %reduce_sum3A, %reduce_sum3A_28 [1, 2] : vector<1x80x128xf32> to vector<1xf32>
    %reduce_sum3A_30 = vector.shape_cast %reduce_sum3A_29 : vector<1xf32> to vector<1x1x1xf32>
    %reduce_sum3A_31 = vector.extract %reduce_sum3A_30[0, 0, 0] : f32 from vector<1x1x1xf32>
    %mul3A_32 = arith.mulf %mul3A_27, %div3A : vector<80x128xf32>
    %reduce_sum3A_33 = vector.shape_cast %mul3A_32 : vector<80x128xf32> to vector<1x80x128xf32>
    %reduce_sum3A_34 = arith.constant dense<0.000000e+00> : vector<1xf32>
    %reduce_sum3A_35 = vector.multi_reduction <add>, %reduce_sum3A_33, %reduce_sum3A_34 [1, 2] : vector<1x80x128xf32> to vector<1xf32>
    %reduce_sum3A_36 = vector.shape_cast %reduce_sum3A_35 : vector<1xf32> to vector<1x1x1xf32>
    %reduce_sum3A_37 = vector.extract %reduce_sum3A_36[0, 0, 0] : f32 from vector<1x1x1xf32>
    %div3A_38 = arith.divf %reduce_sum3A_37, %reduce_sum3A_31 : f32
    %broadcast_in_dim3A = vector.broadcast %div3A_38 : f32 to vector<1x1xf32>
    %swap3A = arith.constant 0 : index
    %swap3A_39 = arith.constant 0 : index
    %swap3A_40 = vector.load %arg3[%swap3A, %swap3A_39] : memref<1x1xf32, #tpu.memory_space<vmem>>, vector<1x1xf32>
    tpu.vector_store %arg3[%swap3A, %swap3A_39], %broadcast_in_dim3A {strides = array<i32>} : memref<1x1xf32, #tpu.memory_space<vmem>>, vector<1x1xf32>,
    return
  }
}

</mosaic_0001>

<sc_bundles>
// kernel: kernel.4.cloned.1.call-start
scs
__scs_entry_jumppad:
0x0: {  	(pc) =	sbr.rel $0x88, $3  }
0x1: {  	(tag) =	ssettag $0x0;
	lr =	simm.s32 $0x1  }
0x2: {  	[smem:$0x3F9E] =	sst lr;
	_ =	strace $0xD0000000  }
0x3: {  	_ = 	snop  }
0x4: {  	_ = 	snop  }
0x5: {  	_ = 	snop  }
0x6: {  	_ = 	snop  }
0x7: {  	_ = 	snop  }
__scs_overlays_trampoline_lowered:
0x8: {  	[smem:$0x3FAD] =	sst s0  }
0x9: {  	[smem:$0x3FAE] =	sst s1  }
0xa: {  	[smem:$0x3FAF] =	sst s2  }
0xb: {  	[smem:$0x3FB0] =	sst s3  }
0xc: {  	[smem:$0x3FB1] =	sst s4  }
0xd: {  	[smem:$0x3FB2] =	sst s5  }
0xe: {  	[smem:$0x3FB3] =	sst s6  }
0xf: {  	[smem:$0x3FB4] =	sst s7  }
0x10: {  	[smem:$0x3FB5] =	sst s8  }
0x11: {  	[smem:$0x3FB6] =	sst s9;
	s0 =	simm.s32 @!p0 $0x0  }
0x12: {  	s1 =	sld [smem:$0x3F9C];
	s0 =	simm.s32 @p0 $0x1  }
0x13: {  	[smem:$0x3FB7] =	sst s0;
	s0 =	simm.s32 @!p1 $0x0  }
0x14: {  	s2 =	sld [smem:$0x3F9B];
	s0 =	simm.s32 @p1 $0x1  }
0x15: {  	[smem:$0x3FB8] =	sst s0;
	s0 =	simm.s32 @!p2 $0x0  }
0x16: {  	s3 =	sld [smem:$0x3FDB];
	s0 =	simm.s32 @p2 $0x1  }
0x17: {  	s4 =	simm.s32 $0x1BF5;
	[smem:$0x3FBA] =	sst s0  }
0x18: {  	s0 =	sld [smem:$0x3F9D];
	_ =	swait.ge [sflag:s4], $0x0  }
0x19: {  	s7 =	sld [smem:$0x3F9E]  }
0x1a: {  	s8 =	sadd.s32 $0xFFFFE003, lr  }
0x1b: {  	s9 =	sadd.s32 $0xFFFFFEF7, lr;
	s5 =	simm.s32 $0xFFFFFFFF;
	p2 =	slt.u32 s8, $0xFFFFF086  }
0x1c: {  	p1 =	slt.u32 s9, $0xF7A;
	s5 =	simm.s32 @!p2 $0x0  }
0x1d: {  	s5 =	simm.s32 @p1 $0x1;
	p0 =	seq.s32 s7, s2  }
0x1e: {  	s7 =	smul.u32 @!p0 $0xF7A, s2;
	p2 =	seq.s32 @!p0 s5, $0x0  }
0x1f: {  	s9 =	smul.u32 $0xF7A, s1;
	s8 =	simm.s32 @!p0 $0x1BF5;
	p2 =	por !p2, p0  }
0x20: {  	[sflag:s8] =	ssyncset.s32 @!p0 $0xFFFFF086;
	s6 =	sadd.s32 @!p0 s3, s7;
	s7 =	simm.s32 @!p0 $0x108  }
0x21: {  	s3 =	sadd.s32 s3, s9;
	s6 =	sadd.s32 @!p0 $0x88, s6;
	s7 =	simm.s32 @p2 $0x1082  }
0x22: {  	[simem:s7], [sflag:s8] =	dma.local @!p0 [hbm:s6], $0xF7A  }
0x23: {  	s9 =	sor.u32 $0xD0000000, s2;
	s6 =	simm.s32 $0x108;
	_ =	swait.ge @!p0 [sflag:s8], $0x0  }
0x24: {  	s3 =	sadd.s32 $0x88, s3;
	s6 =	simm.s32 @!p1 $0x1082;
	[sflag:s4] =	ssyncset.s32 $0xFFFFF086  }
0x25: {  	[simem:s6], [sflag:s4] =	dma.local [hbm:s3], $0xF7A  }
0x26: {  	[smem:$0x3F9E] =	sst s1;
	(tag) =	ssettag s2;
	_ =	strace s9  }
0x27: {  	s1 =	sld [smem:$0x3FAE]  }
0x28: {  	s2 =	sld [smem:$0x3FAF]  }
0x29: {  	s4 =	sld [smem:$0x3FB1]  }
0x2a: {  	p0 =	seq.s32 s5, $0x0;
	s5 =	sld [smem:$0x3FB2]  }
0x2b: {  	s6 =	sld [smem:$0x3FB3]  }
0x2c: {  	s7 =	sld [smem:$0x3FB4]  }
0x2d: {  	s3 =	simm.s32 $0x108;
	s8 =	sld [smem:$0x3FB5]  }
0x2e: {  	s3 =	simm.s32 @!p0 $0x1082;
	s9 =	sld [smem:$0x3FB6]  }
0x2f: {  	lr =	sadd.s32 s0, s3;
	s0 =	sld [smem:$0x3FAD]  }
0x30: {  	s3 =	sld [smem:$0x3FB0]  }
0x31: {  	[smem:$0x3FB9] =	sst s10  }
0x32: {  	s10 =	sld [smem:$0x3FB7];
	_ =	sdelay $0x3  }
0x33: {  	p0 =	seq.s32 s10, $0x1;
	s10 =	sld [smem:$0x3FB9];
	_ =	sdelay $0x3  }
0x34: {  	[smem:$0x3FB9] =	sst s10  }
0x35: {  	s10 =	sld [smem:$0x3FB8];
	_ =	sdelay $0x3  }
0x36: {  	p1 =	seq.s32 s10, $0x1;
	s10 =	sld [smem:$0x3FB9];
	_ =	sdelay $0x3  }
0x37: {  	[smem:$0x3FB9] =	sst s10  }
0x38: {  	s10 =	sld [smem:$0x3FBA]  }
0x39: {  	_ = 	snop;
	(pc) =	sbr.ind lr, $3  }
0x3a: {  	_ = 	snop  }
0x3b: {  	_ = 	snop  }
0x3c: {  	p2 =	seq.s32 s10, $0x1;
	s10 =	sld [smem:$0x3FB9]  }
0x3d: {  	_ =	shalt  }
0x3e: {  	_ =	shalt  }
0x3f: {  	_ =	shalt  }
0x40: {  	_ =	shalt  }
0x41: {  	_ =	shalt  }
0x42: {  	_ =	shalt  }
0x43: {  	_ =	shalt  }
0x44: {  	_ =	shalt  }
0x45: {  	_ =	shalt  }
0x46: {  	_ =	shalt  }
0x47: {  	_ =	shalt  }
0x48: {  	_ =	shalt  }
0x49: {  	_ =	shalt  }
0x4a: {  	_ =	shalt  }
0x4b: {  	_ =	shalt  }
0x4c: {  	_ =	shalt  }
0x4d: {  	_ =	shalt  }
0x4e: {  	_ =	shalt  }
0x4f: {  	_ =	shalt  }
0x50: {  	_ =	shalt  }
0x51: {  	_ =	shalt  }
0x52: {  	_ =	shalt  }
0x53: {  	_ =	shalt  }
0x54: {  	_ =	shalt  }
0x55: {  	_ =	shalt  }
0x56: {  	_ =	shalt  }
0x57: {  	_ =	shalt  }
0x58: {  	_ =	shalt  }
0x59: {  	_ =	shalt  }
0x5a: {  	_ =	shalt  }
0x5b: {  	_ =	shalt  }
0x5c: {  	_ =	shalt  }
0x5d: {  	_ =	shalt  }
0x5e: {  	_ =	shalt  }
0x5f: {  	_ =	shalt  }
0x60: {  	_ =	shalt  }
0x61: {  	_ =	shalt  }
0x62: {  	_ =	shalt  }
0x63: {  	_ =	shalt  }
0x64: {  	_ =	shalt  }
0x65: {  	_ =	shalt  }
0x66: {  	_ =	shalt  }
0x67: {  	_ =	shalt  }
0x68: {  	_ =	shalt  }
0x69: {  	_ =	shalt  }
0x6a: {  	_ =	shalt  }
0x6b: {  	_ =	shalt  }
0x6c: {  	_ =	shalt  }
0x6d: {  	_ =	shalt  }
0x6e: {  	_ =	shalt  }
0x6f: {  	_ =	shalt  }
0x70: {  	_ =	shalt  }
0x71: {  	_ =	shalt  }
0x72: {  	_ =	shalt  }
0x73: {  	_ =	shalt  }
0x74: {  	_ =	shalt  }
0x75: {  	_ =	shalt  }
0x76: {  	_ =	shalt  }
0x77: {  	_ =	shalt  }
0x78: {  	_ =	shalt  }
0x79: {  	_ =	shalt  }
0x7a: {  	_ =	shalt  }
0x7b: {  	_ =	shalt  }
0x7c: {  	_ =	shalt  }
0x7d: {  	_ =	shalt  }
0x7e: {  	_ =	shalt  }
0x7f: {  	_ =	shalt  }
0x80: {  	_ =	shalt  }
0x81: {  	_ =	shalt  }
0x82: {  	_ =	shalt  }
0x83: {  	_ =	shalt  }
0x84: {  	_ =	shalt  }
0x85: {  	_ =	shalt  }
0x86: {  	_ =	shalt  }
0x87: {  	_ =	shalt  }
.Lfunc_end0:
.L_simem_size_0:
called_computation_lowered:
.L_overlay_start_0:
0x88: {  	s2 =	sld [smem:$0x3FD9]  }
0x89: {  	s3 =	sld [smem:$0x3FFE];
	_ =	sdelay $0x1  }
0x8a: {  	s1 =	srdreg.scid  }
0x8b: {  	s0 =	sand.u32 $0x1, s1  }
0x8c: {  	s17 =	sshll.u32 s0, $0xA;
	s2 =	sadd.s32 s3, s2  }
0x8d: {  	s2 =	sadd.s32 s2, s17  }
0x8e: {  	[smem:$0x3FC5] =	sst s2  }
0x8f: {  	_ = 	snop  }
0x90: {  	s2 =	sld [smem:$0x3FC9]  }
0x91: {  	s18 =	sld [smem:$0x3FC8];
	(tm) =	ssettm $0x1  }
0x92: {  	s4 =	sld [smem:$0x3FFB];
	_ =	sdelay $0x3  }
0x93: {  	_ =	strace s4  }
0x94: {  	s4 =	sld [smem:$0x3FFC];
	_ =	sdelay $0x3  }
0x95: {  	_ =	strace s4  }
0x96: {  	s4 =	sld [smem:$0x3FFD];
	_ =	sdelay $0x3  }
0x97: {  	_ =	strace s4  }
0x98: {  	_ =	strace $0x8FFFFFFF  }
0x99: {  	s19 =	sld [smem:$0x3FDB];
	_ =	sdelay $0x1  }
0x9a: {  	s5 =	simm.s32 $_scs_section_size  }
0x9b: {  	s6 =	simm.s32 $_size__tile_overlayer_lowered;
	s7 =	simm.s32 $_tile_overlayer_lowered  }
0x9c: {  	s22 =	simm.s32 $0x1BFF;
	s21 =	sshll.u32 s7, $0x1;
	s4 =	sadd.s32 s5, s19  }
0x9d: {  	s8 =	simm.s32 $0x0;
	s20 =	sshll.u32 s6, $0x1;
	s6 =	sadd.s32 s21, s4  }
0x9e: {  	[timem:s8], [sflag:s22] =	dma.local [hbm:s6], s20  }
0x9f: {  	_ =	swait.ge [sflag:s22], s20  }
0xa0: {  	s5 =	ssub.s32 $0x0, s20;
	[sflag:s22] =	ssyncset.done $0x0  }
0xa1: {  	[sflag:s22] =	ssyncadd.s32 s5;
	_ =	sdelay $0x1  }
0xa2: {  	s23 =	simm.s32 $0x1B8B  }
0xa3: {  	_ =	swait.ge [sflag:s23], $0x1  }
0xa4: {  	[sflag:s23] =	ssyncset.done $0x0  }
0xa5: {  	s25 =	simm.s32 $0x1B8E;
	s24 =	sld [smem:$0x3FFE];
	[sflag:s23] =	ssyncadd.s32 $0xFFFFFFFF  }
0xa6: {  	s26 =	simm.s32 $execute0_lowered;
	[smem:$0x3FD2] =	sst s25  }
0xa7: {  	s6 =	sshll.u32 s26, $0x1;
	_ =	strace $0x80000046;
	[dreg:$0x1] =	wrdreg $0xFFFFFFFF  }
0xa8: {  	s28 =	simm.s32 $_size_execute0_lowered;
	s4 =	sadd.s32 s4, s6;
	[dreg:$0x0] =	wrdreg $0x0  }
0xa9: {  	s6 =	sshll.u32 s28, $0x1;
	[dreg:$0x2] =	wrdreg s4  }
0xaa: {  	[dreg:$0x3] =	wrdreg s6  }
0xab: {  	[dreg:$0x4] =	wrdreg $0xC0  }
0xac: {  	_ =	task [dreg:s8], $0x5FFFF  }
0xad: {  	[dreg:$0x1] =	wrdreg $0xFFFFFFFF  }
0xae: {  	[dreg:$0x0] =	wrdreg $0x60  }
0xaf: {  	[dreg:$0x2] =	wrdreg s2  }
0xb0: {  	[dreg:$0x3] =	wrdreg s18  }
0xb1: {  	[dreg:$0x4] =	wrdreg s24  }
0xb2: {  	[dreg:$0x5] =	wrdreg $0xC5000  }
0xb3: {  	[dreg:$0x6] =	wrdreg $0xED000  }
0xb4: {  	[dreg:$0x7] =	wrdreg $0x9  }
0xb5: {  	_ =	task.clear_ibuf [dreg:s8], $0x8FFFF;
	_ =	strace $0x90000046  }
0xb6: {  	s29 =	simm.s32 $0x9;
	_ =	strace $0x80000048  }
0xb7: {  	_ =	swait.ge [sflag:s29], $0x1  }
0xb8: {  	[sflag:s29] =	ssyncadd.s32 $0xFFFFFFFF  }
0xb9: {  	_ =	strace $0x90000048  }
0xba: {  	_ =	sfence  }
0xbb: {  	s30 =	sld [smem:$0x0];
	_ =	sdelay $0x2  }
0xbc: {  	s31 =	sshll.u32 s1, $0xD;
	s1 =	sshrl.u32 s1, $0x2  }
0xbd: {  	s3 =	sand.u32 $0x4000, s31;
	s1 =	sadd.s32 s1, s30  }
0xbe: {  	s0 =	sor.u32 s3, s0;
	s1 =	sshll.u32 s1, $0x11  }
0xbf: {  	s0 =	sor.u32 s1, s0  }
0xc0: {  	s0 =	sadd.s32 $0x8F2B, s0  }
0xc1: {  	[sflag:s0] =	ssyncadd.remote.s32 $0x1  }
0xc2: {  	_ =	sfence.sel $0xFFFF  }
0xc3: {  	[dreg:$0x0] =	wrdreg $0xFFFFFFFF;
	(pc) =	sbr.abs _section_cstart, $3  }
0xc4: {  	[dreg:$0x1] =	wrdreg $0xFFFFFFFF  }
0xc5: {  	_ =	task.clear_ibuf [dreg:s8], $0x2FFFF;
	_ =	strace $0x9FFFFFFF  }
0xc6: {  	(tm) =	ssettm $0x7FFFFFFF  }
0xc7: {  	_ =	shalt  }
tec
execute0_lowered:
.L_overlay_start_1:
0x0: {  	(tag) =	ssettag $0x1  }
0x1: {  	s0 =	rddreg [dreg:$0x0]  }
0x2: {  	s2 =	rddreg [dreg:$0x1]  }
0x3: {  	s1 =	rddreg [dreg:$0x2]  }
0x4: {  	s3 =	rddreg [dreg:$0x3];
	s4 =	srdreg.scid  }
0x5: {  	s5 =	rddreg [dreg:$0x4];
	s12 =	stileid.u32;
	s18 =	simm.s32 $0x5000  }
0x6: {  	s19 =	simm.s32 $0x6000;
	s28 =	simm.s32 $0x1400;
	s29 =	simm.s32 $0x14000  }
0x7: {  	s31 =	simm.s32 $0x0;
	s6 =	sand.u32 $0x1, s4;
	s4 =	simm.s32 $0x0  }
0x8: {  	s8 =	smul.u32 $0x500, s12;
	s24 =	sshrl.u32 s12, $0x3;
	s25 =	sshll.u32 s12, $0x7  }
0x9: {  	s14 =	smul.u32 $0x1400, s12;
	s7 =	sshll.u32 s6, $0x4;
	[smem:$0x7FF] =	sst s4  }
0xa: {  	s9 =	sshll.u32 s6, $0x7;
	s6 =	ssub.s32 $0x2, s6;
	s11 =	smul.u32 $0x14000, s24  }
0xb: {  	s26 =	sand.u32 $0x380, s25;
	s24 =	simm.s32 $0x2;
	s25 =	simm.s32 $0x80  }
0xc: {  	s7 =	sor.u32 s12, s7;
	_ =	strace $0x80000047;
	s8 =	sor.u32 s9, s8  }
0xd: {  	s20 =	sshrl.u32 s6, $0x1;
	s13 =	sadd.s32 s14, s3;
	s14 =	sadd.s32 s14, s5  }
0xe: {  	s7 =	smul.u32 $0xC350, s7;
	s8 =	sshrl.u32 s8, $0x3;
	s6 =	ssub.s32 s6, s20  }
0xf: {  	s30 =	sor.u32 s26, s11;
	s20 =	simm.s32 $0x5800;
	s26 =	simm.s32 $0x400  }
0x10: {  	s1 =	sadd.s32 s8, s1;
	s17 =	smax.u32 s6, $0x1;
	s10 =	sshrl.u32 s7, $0x3  }
0x11: {  	s9 =	sadd.s32 $0xFA0, s7;
	s15 =	sadd.s32 $0xC00, s1;
	s21 =	sadd.s32 s2, s10  }
0x12: {  	s22 =	sadd.s32 s0, s10;
	s23 =	sadd.s32 $0xFA, s10;
	[dreg:$0x6] =	wrdreg s21  }
0x13: {  	s16 =	sadd.s32 $0x1600, s1;
	[dreg:$0x7] =	wrdreg s22;
	s10 =	sadd.s32 s2, s23  }
0x14: {  	s1 =	simm.s32 $0x100;
	s8 =	sadd.s32 s0, s23;
	[dreg:$0x8] =	wrdreg s10  }
0x15: {  	s21 =	simm.s32 $0x6800;
	[dreg:$0x9] =	wrdreg s8;
	s8 =	sadd.s32 s30, s3  }
0x16: {  	s10 =	sadd.s32 $0x1770, s7;
	s7 =	sadd.s32 s30, s5;
	[dreg:$0xa] =	wrdreg s8  }
0x17: {  	v0 =	vimm.f32 $0.0e+00;
	v1 =	vimm.f32 $1.000000000e+00;
	s22 =	simm.s32 $0x1;
	s23 =	simm.s32 $0x2800;
	[dreg:$0xb] =	wrdreg s7  }
.LBB2_1:
0x18: {  	s3 =	simm.s32 $0x0;
	s5 =	simm.s32 $0x200  }
.LBB2_2:
0x19: {  	p0 =	sne.s32 s5, $0x9E00;
	[tilespmem:s3+$0x2870] =	vst v0  }
0x1a: {  	[tilespmem:s3+$0x0] =	vst v0  }
0x1b: {  	[tilespmem:s3+$0x2800] =	vst v0  }
0x1c: {  	[tilespmem:s3+$0x10] =	vst v0  }
0x1d: {  	[tilespmem:s3+$0x2810] =	vst v0  }
0x1e: {  	[tilespmem:s3+$0x20] =	vst v0  }
0x1f: {  	[tilespmem:s3+$0x2820] =	vst v0  }
0x20: {  	[tilespmem:s3+$0x30] =	vst v0  }
0x21: {  	[tilespmem:s3+$0x2830] =	vst v0  }
0x22: {  	[tilespmem:s3+$0x40] =	vst v0  }
0x23: {  	[tilespmem:s3+$0x2840] =	vst v0  }
.Ltmp0:
0x24: {  	[tilespmem:s3+$0x50] =	vst v0;
	(pc) =	sbr.rel @p0 .LBB2_2-.Ltmp0, $4  }
0x25: {  	[tilespmem:s3+$0x2850] =	vst v0  }
0x26: {  	[tilespmem:s3+$0x60] =	vst v0  }
0x27: {  	[tilespmem:s3+$0x2860] =	vst v0  }
0x28: {  	[tilespmem:s3+$0x70] =	vst v0;
	s3 =	sshra.s32 s5, $0x2;
	s5 =	sadd.s32 $0x200, s5  }
0x29: {  	[tilespmem:s3+$0x2870] =	vst v0  }
0x2a: {  	[tilespmem:s3+$0x0] =	vst v0  }
0x2b: {  	[tilespmem:s3+$0x2800] =	vst v0  }
0x2c: {  	[tilespmem:s3+$0x10] =	vst v0  }
0x2d: {  	[tilespmem:s3+$0x2810] =	vst v0  }
0x2e: {  	[tilespmem:s3+$0x20] =	vst v0  }
0x2f: {  	[tilespmem:s3+$0x2820] =	vst v0  }
0x30: {  	[tilespmem:s3+$0x30] =	vst v0  }
0x31: {  	[tilespmem:s3+$0x2830] =	vst v0  }
0x32: {  	[tilespmem:s3+$0x40] =	vst v0  }
0x33: {  	[tilespmem:s3+$0x2840] =	vst v0  }
0x34: {  	[tilespmem:s3+$0x50] =	vst v0  }
0x35: {  	[tilespmem:s3+$0x2850] =	vst v0  }
0x36: {  	[tilespmem:s3+$0x60] =	vst v0  }
0x37: {  	[tilespmem:s3+$0x2860] =	vst v0  }
0x38: {  	[tilespmem:s3+$0x70] =	vst v0;
	s3 =	simm.s32 $0x0;
	s5 =	rddreg [dreg:$0x6]  }
0x39: {  	[tilespmem:s18], [sflag:$0x1] =	stream.linear.gather [hbm4b:s5+s3], $0x7D0, $0x38;
	[tilespmem:$0x11500] =	vst v63  }
0x3a: {  	s11 =	rddreg [dreg:$0x7]  }
0x3b: {  	[tilespmem:s19], [sflag:$0x1] =	stream.linear.gather [hbm4b:s11+s3], $0x7D0, $0x38;
	[tilespmem:$0x11500] =	vst v63  }
0x3c: {  	s12 =	rddreg [dreg:$0x8]  }
0x3d: {  	[tilespmem:s20], [sflag:$0x2] =	stream.linear.gather [hbm4b:s12+s3], $0x7D0, $0x38;
	[tilespmem:$0x11500] =	vst v63  }
0x3e: {  	s30 =	rddreg [dreg:$0x9]  }
0x3f: {  	[tilespmem:s21], [sflag:$0x2] =	stream.linear.gather [hbm4b:s30+s3], $0x7D0, $0x38;
	[tilespmem:$0x11500] =	vst v63  }
.LBB2_4:
0x40: {  	_ =	swait.ge [sflag:s22], $0x7D0  }
0x41: {  	[sflag:s22] =	ssyncset.done $0x0  }
0x42: {  	[sflag:s22] =	ssyncadd.s32 $0xFFFFF830  }
0x43: {  	_ =	swait.ge [sflag:s22], $0x7D0  }
0x44: {  	s5 =	simm.s32 $0x60C0;
	s30 =	simm.s32 $0x50C0;
	[sflag:s22] =	ssyncset.done $0x0  }
0x45: {  	s6 =	simm.s32 $0x0;
	s7 =	simm.s32 $0x0;
	[sflag:s22] =	ssyncadd.s32 $0xFFFFF830  }
.LBB2_5:
0x46: {  	v2 =	vld [tilespmem:s30+$0xFFFFFF40];
	_ =	sdelay $0x2  }
0x47: {  	v3 =	vld [tilespmem:s5+$0xFFFFFF40];
	_ =	sdelay $0x4  }
0x48: {  	[tilespmem:v2+s4+$0x0] =	vst.idx.add.f32.msk $0xffff, v3  }
0x49: {  	[tilespmem:v2+s23+$0x0] =	vst.idx.add.f32.msk $0xffff, v1  }
0x4a: {  	v2 =	vld [tilespmem:s30+$0xFFFFFF50];
	_ =	sdelay $0x2  }
0x4b: {  	v3 =	vld [tilespmem:s5+$0xFFFFFF50];
	_ =	sdelay $0x4  }
0x4c: {  	[tilespmem:v2+s4+$0x0] =	vst.idx.add.f32.msk $0xffff, v3  }
0x4d: {  	[tilespmem:v2+s23+$0x0] =	vst.idx.add.f32.msk $0xffff, v1  }
0x4e: {  	v2 =	vld [tilespmem:s30+$0xFFFFFF60];
	_ =	sdelay $0x2  }
0x4f: {  	v3 =	vld [tilespmem:s5+$0xFFFFFF60];
	_ =	sdelay $0x4  }
0x50: {  	[tilespmem:v2+s4+$0x0] =	vst.idx.add.f32.msk $0xffff, v3  }
0x51: {  	[tilespmem:v2+s23+$0x0] =	vst.idx.add.f32.msk $0xffff, v1  }
0x52: {  	v2 =	vld [tilespmem:s30+$0xFFFFFF70];
	_ =	sdelay $0x2  }
0x53: {  	v3 =	vld [tilespmem:s5+$0xFFFFFF70];
	_ =	sdelay $0x4  }
0x54: {  	[tilespmem:v2+s4+$0x0] =	vst.idx.add.f32.msk $0xffff, v3  }
0x55: {  	[tilespmem:v2+s23+$0x0] =	vst.idx.add.f32.msk $0xffff, v1  }
0x56: {  	v2 =	vld [tilespmem:s30+$0xFFFFFF80];
	_ =	sdelay $0x2  }
0x57: {  	v3 =	vld [tilespmem:s5+$0xFFFFFF80];
	_ =	sdelay $0x4  }
0x58: {  	[tilespmem:v2+s4+$0x0] =	vst.idx.add.f32.msk $0xffff, v3  }
0x59: {  	[tilespmem:v2+s23+$0x0] =	vst.idx.add.f32.msk $0xffff, v1  }
0x5a: {  	v2 =	vld [tilespmem:s30+$0xFFFFFF90];
	_ =	sdelay $0x2  }
0x5b: {  	v3 =	vld [tilespmem:s5+$0xFFFFFF90];
	_ =	sdelay $0x4  }
0x5c: {  	[tilespmem:v2+s4+$0x0] =	vst.idx.add.f32.msk $0xffff, v3  }
0x5d: {  	[tilespmem:v2+s23+$0x0] =	vst.idx.add.f32.msk $0xffff, v1  }
0x5e: {  	v2 =	vld [tilespmem:s30+$0xFFFFFFA0];
	_ =	sdelay $0x2  }
0x5f: {  	v3 =	vld [tilespmem:s5+$0xFFFFFFA0];
	_ =	sdelay $0x4  }
0x60: {  	[tilespmem:v2+s4+$0x0] =	vst.idx.add.f32.msk $0xffff, v3  }
0x61: {  	[tilespmem:v2+s23+$0x0] =	vst.idx.add.f32.msk $0xffff, v1  }
0x62: {  	v2 =	vld [tilespmem:s30+$0xFFFFFFB0];
	_ =	sdelay $0x2  }
0x63: {  	v3 =	vld [tilespmem:s5+$0xFFFFFFB0];
	_ =	sdelay $0x4  }
0x64: {  	s8 =	sand.u32 $0x3FFFFF80, s6;
	s11 =	sshra.s32 s7, $0x2;
	[tilespmem:v2+s4+$0x0] =	vst.idx.add.f32.msk $0xffff, v3  }
0x65: {  	s8 =	sadd.s32 s11, s8;
	[tilespmem:v2+s23+$0x0] =	vst.idx.add.f32.msk $0xffff, v1  }
0x66: {  	v2 =	vld [tilespmem:s8+$0x5080];
	_ =	sdelay $0x2  }
0x67: {  	v3 =	vld [tilespmem:s8+$0x6080];
	_ =	sdelay $0x4  }
0x68: {  	[tilespmem:v2+s4+$0x0] =	vst.idx.add.f32.msk $0xffff, v3  }
0x69: {  	[tilespmem:v2+s23+$0x0] =	vst.idx.add.f32.msk $0xffff, v1  }
0x6a: {  	v2 =	vld [tilespmem:s30+$0xFFFFFFD0];
	_ =	sdelay $0x2  }
0x6b: {  	v3 =	vld [tilespmem:s5+$0xFFFFFFD0];
	_ =	sdelay $0x4  }
0x6c: {  	[tilespmem:v2+s4+$0x0] =	vst.idx.add.f32.msk $0xffff, v3  }
0x6d: {  	[tilespmem:v2+s23+$0x0] =	vst.idx.add.f32.msk $0xffff, v1  }
0x6e: {  	v2 =	vld [tilespmem:s30+$0xFFFFFFE0];
	_ =	sdelay $0x2  }
0x6f: {  	v3 =	vld [tilespmem:s5+$0xFFFFFFE0];
	_ =	sdelay $0x4  }
0x70: {  	[tilespmem:v2+s4+$0x0] =	vst.idx.add.f32.msk $0xffff, v3  }
0x71: {  	[tilespmem:v2+s23+$0x0] =	vst.idx.add.f32.msk $0xffff, v1  }
0x72: {  	v2 =	vld [tilespmem:s30+$0xFFFFFFF0];
	_ =	sdelay $0x2  }
0x73: {  	v3 =	vld [tilespmem:s5+$0xFFFFFFF0];
	_ =	sdelay $0x4  }
0x74: {  	[tilespmem:v2+s4+$0x0] =	vst.idx.add.f32.msk $0xffff, v3  }
0x75: {  	[tilespmem:v2+s23+$0x0] =	vst.idx.add.f32.msk $0xffff, v1  }
0x76: {  	v2 =	vld [tilespmem:s30+$0x0];
	_ =	sdelay $0x2  }
0x77: {  	v3 =	vld [tilespmem:s5+$0x0];
	_ =	sdelay $0x4  }
0x78: {  	[tilespmem:v2+s4+$0x0] =	vst.idx.add.f32.msk $0xffff, v3  }
0x79: {  	[tilespmem:v2+s23+$0x0] =	vst.idx.add.f32.msk $0xffff, v1  }
0x7a: {  	v2 =	vld [tilespmem:s30+$0x10];
	_ =	sdelay $0x2  }
0x7b: {  	v3 =	vld [tilespmem:s5+$0x10];
	_ =	sdelay $0x4  }
0x7c: {  	[tilespmem:v2+s4+$0x0] =	vst.idx.add.f32.msk $0xffff, v3  }
0x7d: {  	[tilespmem:v2+s23+$0x0] =	vst.idx.add.f32.msk $0xffff, v1  }
0x7e: {  	v2 =	vld [tilespmem:s30+$0x20];
	_ =	sdelay $0x2  }
0x7f: {  	v3 =	vld [tilespmem:s5+$0x20];
	_ =	sdelay $0x4  }
0x80: {  	[tilespmem:v2+s4+$0x0] =	vst.idx.add.f32.msk $0xffff, v3  }
0x81: {  	[tilespmem:v2+s23+$0x0] =	vst.idx.add.f32.msk $0xffff, v1  }
0x82: {  	v2 =	vld [tilespmem:s30+$0x30];
	_ =	sdelay $0x2  }
0x83: {  	v3 =	vld [tilespmem:s5+$0x30];
	_ =	sdelay $0x4  }
0x84: {  	[tilespmem:v2+s4+$0x0] =	vst.idx.add.f32.msk $0xffff, v3  }
0x85: {  	[tilespmem:v2+s23+$0x0] =	vst.idx.add.f32.msk $0xffff, v1  }
0x86: {  	v2 =	vld [tilespmem:s8+$0x5100];
	_ =	sdelay $0x2  }
0x87: {  	v3 =	vld [tilespmem:s8+$0x6100];
	_ =	sdelay $0x4  }
0x88: {  	[tilespmem:v2+s4+$0x0] =	vst.idx.add.f32.msk $0xffff, v3  }
0x89: {  	[tilespmem:v2+s23+$0x0] =	vst.idx.add.f32.msk $0xffff, v1  }
0x8a: {  	v2 =	vld [tilespmem:s30+$0x50];
	_ =	sdelay $0x2  }
0x8b: {  	v3 =	vld [tilespmem:s5+$0x50];
	_ =	sdelay $0x4  }
0x8c: {  	[tilespmem:v2+s4+$0x0] =	vst.idx.add.f32.msk $0xffff, v3  }
0x8d: {  	[tilespmem:v2+s23+$0x0] =	vst.idx.add.f32.msk $0xffff, v1  }
0x8e: {  	v2 =	vld [tilespmem:s30+$0x60];
	_ =	sdelay $0x2  }
0x8f: {  	v3 =	vld [tilespmem:s5+$0x60];
	_ =	sdelay $0x4  }
0x90: {  	[tilespmem:v2+s4+$0x0] =	vst.idx.add.f32.msk $0xffff, v3  }
0x91: {  	[tilespmem:v2+s23+$0x0] =	vst.idx.add.f32.msk $0xffff, v1  }
0x92: {  	v2 =	vld [tilespmem:s30+$0x70];
	_ =	sdelay $0x2  }
0x93: {  	v3 =	vld [tilespmem:s5+$0x70];
	_ =	sdelay $0x4  }
0x94: {  	[tilespmem:v2+s4+$0x0] =	vst.idx.add.f32.msk $0xffff, v3  }
0x95: {  	[tilespmem:v2+s23+$0x0] =	vst.idx.add.f32.msk $0xffff, v1  }
0x96: {  	v2 =	vld [tilespmem:s30+$0x80];
	_ =	sdelay $0x2  }
0x97: {  	v3 =	vld [tilespmem:s5+$0x80];
	_ =	sdelay $0x4  }
0x98: {  	[tilespmem:v2+s4+$0x0] =	vst.idx.add.f32.msk $0xffff, v3  }
0x99: {  	[tilespmem:v2+s23+$0x0] =	vst.idx.add.f32.msk $0xffff, v1  }
0x9a: {  	v2 =	vld [tilespmem:s30+$0x90];
	_ =	sdelay $0x2  }
0x9b: {  	v3 =	vld [tilespmem:s5+$0x90];
	_ =	sdelay $0x4  }
0x9c: {  	[tilespmem:v2+s4+$0x0] =	vst.idx.add.f32.msk $0xffff, v3  }
0x9d: {  	[tilespmem:v2+s23+$0x0] =	vst.idx.add.f32.msk $0xffff, v1  }
0x9e: {  	v2 =	vld [tilespmem:s30+$0xA0];
	_ =	sdelay $0x2  }
0x9f: {  	v3 =	vld [tilespmem:s5+$0xA0];
	_ =	sdelay $0x4  }
0xa0: {  	[tilespmem:v2+s4+$0x0] =	vst.idx.add.f32.msk $0xffff, v3  }
0xa1: {  	[tilespmem:v2+s23+$0x0] =	vst.idx.add.f32.msk $0xffff, v1  }
0xa2: {  	v2 =	vld [tilespmem:s30+$0xB0];
	_ =	sdelay $0x2  }
0xa3: {  	v3 =	vld [tilespmem:s5+$0xB0];
	_ =	sdelay $0x4  }
0xa4: {  	[tilespmem:v2+s4+$0x0] =	vst.idx.add.f32.msk $0xffff, v3  }
0xa5: {  	[tilespmem:v2+s23+$0x0] =	vst.idx.add.f32.msk $0xffff, v1  }
0xa6: {  	v2 =	vld [tilespmem:s8+$0x5180];
	_ =	sdelay $0x2  }
0xa7: {  	v3 =	vld [tilespmem:s8+$0x6180]  }
0xa8: {  	p0 =	sne.s32 s7, $0x100  }
.Ltmp1:
0xa9: {  	_ = 	snop;
	(pc) =	sbr.rel @p0 .LBB2_5-.Ltmp1, $3  }
0xaa: {  	_ =	sdelay $0x1  }
0xab: {  	s6 =	sadd.s32 $0x190, s6;
	[tilespmem:v2+s4+$0x0] =	vst.idx.add.f32.msk $0xffff, v3  }
0xac: {  	s7 =	sadd.s32 $0x40, s7;
	s5 =	sadd.s32 $0x190, s5;
	s30 =	sadd.s32 $0x190, s30;
	[tilespmem:v2+s23+$0x0] =	vst.idx.add.f32.msk $0xffff, v1  }
0xad: {  	s30 =	smul.u32 $0xFA0, s3;
	_ =	sdelay $0x1  }
0xae: {  	s5 =	sadd.s32 s30, s9  }
0xaf: {  	s6 =	sshrl.u32 s5, $0x3  }
0xb0: {  	s5 =	simm.s32 $0x0;
	s7 =	sadd.s32 s2, s6  }
0xb1: {  	[tilespmem:s18], [sflag:$0x1] =	stream.linear.gather [hbm4b:s7+s5], $0x7D0, $0x38;
	[tilespmem:$0x11500] =	vst v63  }
0xb2: {  	s6 =	sadd.s32 s0, s6  }
0xb3: {  	[tilespmem:s19], [sflag:$0x1] =	stream.linear.gather [hbm4b:s6+s5], $0x7D0, $0x38;
	[tilespmem:$0x11500] =	vst v63  }
0xb4: {  	_ =	swait.ge [sflag:s24], $0x7D0  }
0xb5: {  	[sflag:s24] =	ssyncset.done $0x0  }
0xb6: {  	[sflag:s24] =	ssyncadd.s32 $0xFFFFF830  }
0xb7: {  	_ =	swait.ge [sflag:s24], $0x7D0  }
0xb8: {  	s8 =	simm.s32 $0x0;
	[sflag:s24] =	ssyncset.done $0x0  }
0xb9: {  	s7 =	simm.s32 $0x58C0;
	s6 =	simm.s32 $0x68C0;
	[sflag:s24] =	ssyncadd.s32 $0xFFFFF830  }
.LBB2_7:
0xba: {  	v2 =	vld [tilespmem:s7+$0xFFFFFF40];
	_ =	sdelay $0x2  }
0xbb: {  	v3 =	vld [tilespmem:s6+$0xFFFFFF40];
	_ =	sdelay $0x4  }
0xbc: {  	[tilespmem:v2+s4+$0x0] =	vst.idx.add.f32.msk $0xffff, v3  }
0xbd: {  	[tilespmem:v2+s23+$0x0] =	vst.idx.add.f32.msk $0xffff, v1  }
0xbe: {  	v2 =	vld [tilespmem:s7+$0xFFFFFF50];
	_ =	sdelay $0x2  }
0xbf: {  	v3 =	vld [tilespmem:s6+$0xFFFFFF50];
	_ =	sdelay $0x4  }
0xc0: {  	[tilespmem:v2+s4+$0x0] =	vst.idx.add.f32.msk $0xffff, v3  }
0xc1: {  	[tilespmem:v2+s23+$0x0] =	vst.idx.add.f32.msk $0xffff, v1  }
0xc2: {  	v2 =	vld [tilespmem:s7+$0xFFFFFF60];
	_ =	sdelay $0x2  }
0xc3: {  	v3 =	vld [tilespmem:s6+$0xFFFFFF60];
	_ =	sdelay $0x4  }
0xc4: {  	[tilespmem:v2+s4+$0x0] =	vst.idx.add.f32.msk $0xffff, v3  }
0xc5: {  	[tilespmem:v2+s23+$0x0] =	vst.idx.add.f32.msk $0xffff, v1  }
0xc6: {  	v2 =	vld [tilespmem:s7+$0xFFFFFF70];
	_ =	sdelay $0x2  }
0xc7: {  	v3 =	vld [tilespmem:s6+$0xFFFFFF70];
	_ =	sdelay $0x4  }
0xc8: {  	[tilespmem:v2+s4+$0x0] =	vst.idx.add.f32.msk $0xffff, v3  }
0xc9: {  	[tilespmem:v2+s23+$0x0] =	vst.idx.add.f32.msk $0xffff, v1  }
0xca: {  	v2 =	vld [tilespmem:s7+$0xFFFFFF80];
	_ =	sdelay $0x2  }
0xcb: {  	v3 =	vld [tilespmem:s6+$0xFFFFFF80];
	_ =	sdelay $0x4  }
0xcc: {  	[tilespmem:v2+s4+$0x0] =	vst.idx.add.f32.msk $0xffff, v3  }
0xcd: {  	[tilespmem:v2+s23+$0x0] =	vst.idx.add.f32.msk $0xffff, v1  }
0xce: {  	v2 =	vld [tilespmem:s7+$0xFFFFFF90];
	_ =	sdelay $0x2  }
0xcf: {  	v3 =	vld [tilespmem:s6+$0xFFFFFF90];
	_ =	sdelay $0x4  }
0xd0: {  	[tilespmem:v2+s4+$0x0] =	vst.idx.add.f32.msk $0xffff, v3  }
0xd1: {  	[tilespmem:v2+s23+$0x0] =	vst.idx.add.f32.msk $0xffff, v1  }
0xd2: {  	v2 =	vld [tilespmem:s7+$0xFFFFFFA0];
	_ =	sdelay $0x2  }
0xd3: {  	v3 =	vld [tilespmem:s6+$0xFFFFFFA0];
	_ =	sdelay $0x4  }
0xd4: {  	[tilespmem:v2+s4+$0x0] =	vst.idx.add.f32.msk $0xffff, v3  }
0xd5: {  	[tilespmem:v2+s23+$0x0] =	vst.idx.add.f32.msk $0xffff, v1  }
0xd6: {  	v2 =	vld [tilespmem:s7+$0xFFFFFFB0];
	_ =	sdelay $0x2  }
0xd7: {  	v3 =	vld [tilespmem:s6+$0xFFFFFFB0];
	_ =	sdelay $0x4  }
0xd8: {  	s11 =	sand.u32 $0x3FFFFF80, s5;
	s12 =	sshra.s32 s8, $0x2;
	[tilespmem:v2+s4+$0x0] =	vst.idx.add.f32.msk $0xffff, v3  }
0xd9: {  	s11 =	sadd.s32 s12, s11;
	[tilespmem:v2+s23+$0x0] =	vst.idx.add.f32.msk $0xffff, v1  }
0xda: {  	v2 =	vld [tilespmem:s11+$0x5880];
	_ =	sdelay $0x2  }
0xdb: {  	v3 =	vld [tilespmem:s11+$0x6880];
	_ =	sdelay $0x4  }
0xdc: {  	[tilespmem:v2+s4+$0x0] =	vst.idx.add.f32.msk $0xffff, v3  }
0xdd: {  	[tilespmem:v2+s23+$0x0] =	vst.idx.add.f32.msk $0xffff, v1  }
0xde: {  	v2 =	vld [tilespmem:s7+$0xFFFFFFD0];
	_ =	sdelay $0x2  }
0xdf: {  	v3 =	vld [tilespmem:s6+$0xFFFFFFD0];
	_ =	sdelay $0x4  }
0xe0: {  	[tilespmem:v2+s4+$0x0] =	vst.idx.add.f32.msk $0xffff, v3  }
0xe1: {  	[tilespmem:v2+s23+$0x0] =	vst.idx.add.f32.msk $0xffff, v1  }
0xe2: {  	v2 =	vld [tilespmem:s7+$0xFFFFFFE0];
	_ =	sdelay $0x2  }
0xe3: {  	v3 =	vld [tilespmem:s6+$0xFFFFFFE0];
	_ =	sdelay $0x4  }
0xe4: {  	[tilespmem:v2+s4+$0x0] =	vst.idx.add.f32.msk $0xffff, v3  }
0xe5: {  	[tilespmem:v2+s23+$0x0] =	vst.idx.add.f32.msk $0xffff, v1  }
0xe6: {  	v2 =	vld [tilespmem:s7+$0xFFFFFFF0];
	_ =	sdelay $0x2  }
0xe7: {  	v3 =	vld [tilespmem:s6+$0xFFFFFFF0];
	_ =	sdelay $0x4  }
0xe8: {  	[tilespmem:v2+s4+$0x0] =	vst.idx.add.f32.msk $0xffff, v3  }
0xe9: {  	[tilespmem:v2+s23+$0x0] =	vst.idx.add.f32.msk $0xffff, v1  }
0xea: {  	v2 =	vld [tilespmem:s7+$0x0];
	_ =	sdelay $0x2  }
0xeb: {  	v3 =	vld [tilespmem:s6+$0x0];
	_ =	sdelay $0x4  }
0xec: {  	[tilespmem:v2+s4+$0x0] =	vst.idx.add.f32.msk $0xffff, v3  }
0xed: {  	[tilespmem:v2+s23+$0x0] =	vst.idx.add.f32.msk $0xffff, v1  }
0xee: {  	v2 =	vld [tilespmem:s7+$0x10];
	_ =	sdelay $0x2  }
0xef: {  	v3 =	vld [tilespmem:s6+$0x10];
	_ =	sdelay $0x4  }
0xf0: {  	[tilespmem:v2+s4+$0x0] =	vst.idx.add.f32.msk $0xffff, v3  }
0xf1: {  	[tilespmem:v2+s23+$0x0] =	vst.idx.add.f32.msk $0xffff, v1  }
0xf2: {  	v2 =	vld [tilespmem:s7+$0x20];
	_ =	sdelay $0x2  }
0xf3: {  	v3 =	vld [tilespmem:s6+$0x20];
	_ =	sdelay $0x4  }
0xf4: {  	[tilespmem:v2+s4+$0x0] =	vst.idx.add.f32.msk $0xffff, v3  }
0xf5: {  	[tilespmem:v2+s23+$0x0] =	vst.idx.add.f32.msk $0xffff, v1  }
0xf6: {  	v2 =	vld [tilespmem:s7+$0x30];
	_ =	sdelay $0x2  }
0xf7: {  	v3 =	vld [tilespmem:s6+$0x30];
	_ =	sdelay $0x4  }
0xf8: {  	[tilespmem:v2+s4+$0x0] =	vst.idx.add.f32.msk $0xffff, v3  }
0xf9: {  	[tilespmem:v2+s23+$0x0] =	vst.idx.add.f32.msk $0xffff, v1  }
0xfa: {  	v2 =	vld [tilespmem:s11+$0x5900];
	_ =	sdelay $0x2  }
0xfb: {  	v3 =	vld [tilespmem:s11+$0x6900];
	_ =	sdelay $0x4  }
0xfc: {  	[tilespmem:v2+s4+$0x0] =	vst.idx.add.f32.msk $0xffff, v3  }
0xfd: {  	[tilespmem:v2+s23+$0x0] =	vst.idx.add.f32.msk $0xffff, v1  }
0xfe: {  	v2 =	vld [tilespmem:s7+$0x50];
	_ =	sdelay $0x2  }
0xff: {  	v3 =	vld [tilespmem:s6+$0x50];
	_ =	sdelay $0x4  }
0x100: {  	[tilespmem:v2+s4+$0x0] =	vst.idx.add.f32.msk $0xffff, v3  }
0x101: {  	[tilespmem:v2+s23+$0x0] =	vst.idx.add.f32.msk $0xffff, v1  }
0x102: {  	v2 =	vld [tilespmem:s7+$0x60];
	_ =	sdelay $0x2  }
0x103: {  	v3 =	vld [tilespmem:s6+$0x60];
	_ =	sdelay $0x4  }
0x104: {  	[tilespmem:v2+s4+$0x0] =	vst.idx.add.f32.msk $0xffff, v3  }
0x105: {  	[tilespmem:v2+s23+$0x0] =	vst.idx.add.f32.msk $0xffff, v1  }
0x106: {  	v2 =	vld [tilespmem:s7+$0x70];
	_ =	sdelay $0x2  }
0x107: {  	v3 =	vld [tilespmem:s6+$0x70];
	_ =	sdelay $0x4  }
0x108: {  	[tilespmem:v2+s4+$0x0] =	vst.idx.add.f32.msk $0xffff, v3  }
0x109: {  	[tilespmem:v2+s23+$0x0] =	vst.idx.add.f32.msk $0xffff, v1  }
0x10a: {  	v2 =	vld [tilespmem:s7+$0x80];
	_ =	sdelay $0x2  }
0x10b: {  	v3 =	vld [tilespmem:s6+$0x80];
	_ =	sdelay $0x4  }
0x10c: {  	[tilespmem:v2+s4+$0x0] =	vst.idx.add.f32.msk $0xffff, v3  }
0x10d: {  	[tilespmem:v2+s23+$0x0] =	vst.idx.add.f32.msk $0xffff, v1  }
0x10e: {  	v2 =	vld [tilespmem:s7+$0x90];
	_ =	sdelay $0x2  }
0x10f: {  	v3 =	vld [tilespmem:s6+$0x90];
	_ =	sdelay $0x4  }
0x110: {  	[tilespmem:v2+s4+$0x0] =	vst.idx.add.f32.msk $0xffff, v3  }
0x111: {  	[tilespmem:v2+s23+$0x0] =	vst.idx.add.f32.msk $0xffff, v1  }
0x112: {  	v2 =	vld [tilespmem:s7+$0xA0];
	_ =	sdelay $0x2  }
0x113: {  	v3 =	vld [tilespmem:s6+$0xA0];
	_ =	sdelay $0x4  }
0x114: {  	[tilespmem:v2+s4+$0x0] =	vst.idx.add.f32.msk $0xffff, v3  }
0x115: {  	[tilespmem:v2+s23+$0x0] =	vst.idx.add.f32.msk $0xffff, v1  }
0x116: {  	v2 =	vld [tilespmem:s7+$0xB0];
	_ =	sdelay $0x2  }
0x117: {  	v3 =	vld [tilespmem:s6+$0xB0];
	_ =	sdelay $0x4  }
0x118: {  	[tilespmem:v2+s4+$0x0] =	vst.idx.add.f32.msk $0xffff, v3  }
0x119: {  	[tilespmem:v2+s23+$0x0] =	vst.idx.add.f32.msk $0xffff, v1  }
0x11a: {  	v2 =	vld [tilespmem:s11+$0x5980];
	_ =	sdelay $0x2  }
0x11b: {  	v3 =	vld [tilespmem:s11+$0x6980]  }
0x11c: {  	p0 =	sne.s32 s8, $0x100  }
.Ltmp2:
0x11d: {  	_ = 	snop;
	(pc) =	sbr.rel @p0 .LBB2_7-.Ltmp2, $3  }
0x11e: {  	_ =	sdelay $0x1  }
0x11f: {  	s5 =	sadd.s32 $0x190, s5;
	[tilespmem:v2+s4+$0x0] =	vst.idx.add.f32.msk $0xffff, v3  }
0x120: {  	s8 =	sadd.s32 $0x40, s8;
	s6 =	sadd.s32 $0x190, s6;
	s7 =	sadd.s32 $0x190, s7;
	[tilespmem:v2+s23+$0x0] =	vst.idx.add.f32.msk $0xffff, v1  }
0x121: {  	p0 =	seq.s32 s3, $0xB  }
.Ltmp3:
0x122: {  	_ = 	snop;
	(pc) =	sbr.rel @p0 .LBB2_10-.Ltmp3, $1  }
0x123: {  	_ =	sdelay $0x3  }
0x124: {  	s5 =	sadd.s32 s30, s10  }
.Ltmp4:
0x125: {  	s5 =	sshrl.u32 s5, $0x3;
	(pc) =	sbr.rel .LBB2_4-.Ltmp4, $4  }
0x126: {  	s6 =	sadd.s32 s2, s5  }
0x127: {  	[tilespmem:s20], [sflag:$0x2] =	stream.linear.gather [hbm4b:s6+s4], $0x7D0, $0x38;
	[tilespmem:$0x11500] =	vst v63  }
0x128: {  	s3 =	sadd.s32 $0x1, s3;
	s5 =	sadd.s32 s0, s5  }
0x129: {  	[tilespmem:s21], [sflag:$0x2] =	stream.linear.gather [hbm4b:s5+s4], $0x7D0, $0x38;
	[tilespmem:$0x11500] =	vst v63  }
.LBB2_10:
0x12a: {  	_ =	swait.ge [sflag:s22], $0x7D0  }
0x12b: {  	[sflag:s22] =	ssyncset.done $0x0  }
0x12c: {  	[sflag:s22] =	ssyncadd.s32 $0xFFFFF830  }
0x12d: {  	_ =	swait.ge [sflag:s22], $0x7D0  }
0x12e: {  	s3 =	simm.s32 $0x0;
	s5 =	simm.s32 $0x60C0;
	[sflag:s22] =	ssyncset.done $0x0  }
0x12f: {  	s6 =	simm.s32 $0x50C0;
	s7 =	simm.s32 $0x0;
	[sflag:s22] =	ssyncadd.s32 $0xFFFFF830  }
.LBB2_11:
0x130: {  	v2 =	vld [tilespmem:s6+$0xFFFFFF40];
	_ =	sdelay $0x2  }
0x131: {  	v3 =	vld [tilespmem:s5+$0xFFFFFF40];
	_ =	sdelay $0x4  }
0x132: {  	[tilespmem:v2+s4+$0x0] =	vst.idx.add.f32.msk $0xffff, v3  }
0x133: {  	[tilespmem:v2+s23+$0x0] =	vst.idx.add.f32.msk $0xffff, v1  }
0x134: {  	v2 =	vld [tilespmem:s6+$0xFFFFFF50];
	_ =	sdelay $0x2  }
0x135: {  	v3 =	vld [tilespmem:s5+$0xFFFFFF50];
	_ =	sdelay $0x4  }
0x136: {  	[tilespmem:v2+s4+$0x0] =	vst.idx.add.f32.msk $0xffff, v3  }
0x137: {  	[tilespmem:v2+s23+$0x0] =	vst.idx.add.f32.msk $0xffff, v1  }
0x138: {  	v2 =	vld [tilespmem:s6+$0xFFFFFF60];
	_ =	sdelay $0x2  }
0x139: {  	v3 =	vld [tilespmem:s5+$0xFFFFFF60];
	_ =	sdelay $0x4  }
0x13a: {  	[tilespmem:v2+s4+$0x0] =	vst.idx.add.f32.msk $0xffff, v3  }
0x13b: {  	[tilespmem:v2+s23+$0x0] =	vst.idx.add.f32.msk $0xffff, v1  }
0x13c: {  	v2 =	vld [tilespmem:s6+$0xFFFFFF70];
	_ =	sdelay $0x2  }
0x13d: {  	v3 =	vld [tilespmem:s5+$0xFFFFFF70];
	_ =	sdelay $0x4  }
0x13e: {  	[tilespmem:v2+s4+$0x0] =	vst.idx.add.f32.msk $0xffff, v3  }
0x13f: {  	[tilespmem:v2+s23+$0x0] =	vst.idx.add.f32.msk $0xffff, v1  }
0x140: {  	v2 =	vld [tilespmem:s6+$0xFFFFFF80];
	_ =	sdelay $0x2  }
0x141: {  	v3 =	vld [tilespmem:s5+$0xFFFFFF80];
	_ =	sdelay $0x4  }
0x142: {  	[tilespmem:v2+s4+$0x0] =	vst.idx.add.f32.msk $0xffff, v3  }
0x143: {  	[tilespmem:v2+s23+$0x0] =	vst.idx.add.f32.msk $0xffff, v1  }
0x144: {  	v2 =	vld [tilespmem:s6+$0xFFFFFF90];
	_ =	sdelay $0x2  }
0x145: {  	v3 =	vld [tilespmem:s5+$0xFFFFFF90];
	_ =	sdelay $0x4  }
0x146: {  	[tilespmem:v2+s4+$0x0] =	vst.idx.add.f32.msk $0xffff, v3  }
0x147: {  	[tilespmem:v2+s23+$0x0] =	vst.idx.add.f32.msk $0xffff, v1  }
0x148: {  	v2 =	vld [tilespmem:s6+$0xFFFFFFA0];
	_ =	sdelay $0x2  }
0x149: {  	v3 =	vld [tilespmem:s5+$0xFFFFFFA0];
	_ =	sdelay $0x4  }
0x14a: {  	[tilespmem:v2+s4+$0x0] =	vst.idx.add.f32.msk $0xffff, v3  }
0x14b: {  	[tilespmem:v2+s23+$0x0] =	vst.idx.add.f32.msk $0xffff, v1  }
0x14c: {  	v2 =	vld [tilespmem:s6+$0xFFFFFFB0];
	_ =	sdelay $0x2  }
0x14d: {  	v3 =	vld [tilespmem:s5+$0xFFFFFFB0];
	_ =	sdelay $0x4  }
0x14e: {  	s8 =	sand.u32 $0x3FFFFF80, s3;
	s11 =	sshra.s32 s7, $0x2;
	[tilespmem:v2+s4+$0x0] =	vst.idx.add.f32.msk $0xffff, v3  }
0x14f: {  	s8 =	sadd.s32 s11, s8;
	[tilespmem:v2+s23+$0x0] =	vst.idx.add.f32.msk $0xffff, v1  }
0x150: {  	v2 =	vld [tilespmem:s8+$0x5080];
	_ =	sdelay $0x2  }
0x151: {  	v3 =	vld [tilespmem:s8+$0x6080];
	_ =	sdelay $0x4  }
0x152: {  	[tilespmem:v2+s4+$0x0] =	vst.idx.add.f32.msk $0xffff, v3  }
0x153: {  	[tilespmem:v2+s23+$0x0] =	vst.idx.add.f32.msk $0xffff, v1  }
0x154: {  	v2 =	vld [tilespmem:s6+$0xFFFFFFD0];
	_ =	sdelay $0x2  }
0x155: {  	v3 =	vld [tilespmem:s5+$0xFFFFFFD0];
	_ =	sdelay $0x4  }
0x156: {  	[tilespmem:v2+s4+$0x0] =	vst.idx.add.f32.msk $0xffff, v3  }
0x157: {  	[tilespmem:v2+s23+$0x0] =	vst.idx.add.f32.msk $0xffff, v1  }
0x158: {  	v2 =	vld [tilespmem:s6+$0xFFFFFFE0];
	_ =	sdelay $0x2  }
0x159: {  	v3 =	vld [tilespmem:s5+$0xFFFFFFE0];
	_ =	sdelay $0x4  }
0x15a: {  	[tilespmem:v2+s4+$0x0] =	vst.idx.add.f32.msk $0xffff, v3  }
0x15b: {  	[tilespmem:v2+s23+$0x0] =	vst.idx.add.f32.msk $0xffff, v1  }
0x15c: {  	v2 =	vld [tilespmem:s6+$0xFFFFFFF0];
	_ =	sdelay $0x2  }
0x15d: {  	v3 =	vld [tilespmem:s5+$0xFFFFFFF0];
	_ =	sdelay $0x4  }
0x15e: {  	[tilespmem:v2+s4+$0x0] =	vst.idx.add.f32.msk $0xffff, v3  }
0x15f: {  	[tilespmem:v2+s23+$0x0] =	vst.idx.add.f32.msk $0xffff, v1  }
0x160: {  	v2 =	vld [tilespmem:s6+$0x0];
	_ =	sdelay $0x2  }
0x161: {  	v3 =	vld [tilespmem:s5+$0x0];
	_ =	sdelay $0x4  }
0x162: {  	[tilespmem:v2+s4+$0x0] =	vst.idx.add.f32.msk $0xffff, v3  }
0x163: {  	[tilespmem:v2+s23+$0x0] =	vst.idx.add.f32.msk $0xffff, v1  }
0x164: {  	v2 =	vld [tilespmem:s6+$0x10];
	_ =	sdelay $0x2  }
0x165: {  	v3 =	vld [tilespmem:s5+$0x10];
	_ =	sdelay $0x4  }
0x166: {  	[tilespmem:v2+s4+$0x0] =	vst.idx.add.f32.msk $0xffff, v3  }
0x167: {  	[tilespmem:v2+s23+$0x0] =	vst.idx.add.f32.msk $0xffff, v1  }
0x168: {  	v2 =	vld [tilespmem:s6+$0x20];
	_ =	sdelay $0x2  }
0x169: {  	v3 =	vld [tilespmem:s5+$0x20];
	_ =	sdelay $0x4  }
0x16a: {  	[tilespmem:v2+s4+$0x0] =	vst.idx.add.f32.msk $0xffff, v3  }
0x16b: {  	[tilespmem:v2+s23+$0x0] =	vst.idx.add.f32.msk $0xffff, v1  }
0x16c: {  	v2 =	vld [tilespmem:s6+$0x30];
	_ =	sdelay $0x2  }
0x16d: {  	v3 =	vld [tilespmem:s5+$0x30];
	_ =	sdelay $0x4  }
0x16e: {  	[tilespmem:v2+s4+$0x0] =	vst.idx.add.f32.msk $0xffff, v3  }
0x16f: {  	[tilespmem:v2+s23+$0x0] =	vst.idx.add.f32.msk $0xffff, v1  }
0x170: {  	v2 =	vld [tilespmem:s8+$0x5100];
	_ =	sdelay $0x2  }
0x171: {  	v3 =	vld [tilespmem:s8+$0x6100];
	_ =	sdelay $0x4  }
0x172: {  	[tilespmem:v2+s4+$0x0] =	vst.idx.add.f32.msk $0xffff, v3  }
0x173: {  	[tilespmem:v2+s23+$0x0] =	vst.idx.add.f32.msk $0xffff, v1  }
0x174: {  	v2 =	vld [tilespmem:s6+$0x50];
	_ =	sdelay $0x2  }
0x175: {  	v3 =	vld [tilespmem:s5+$0x50];
	_ =	sdelay $0x4  }
0x176: {  	[tilespmem:v2+s4+$0x0] =	vst.idx.add.f32.msk $0xffff, v3  }
0x177: {  	[tilespmem:v2+s23+$0x0] =	vst.idx.add.f32.msk $0xffff, v1  }
0x178: {  	v2 =	vld [tilespmem:s6+$0x60];
	_ =	sdelay $0x2  }
0x179: {  	v3 =	vld [tilespmem:s5+$0x60];
	_ =	sdelay $0x4  }
0x17a: {  	[tilespmem:v2+s4+$0x0] =	vst.idx.add.f32.msk $0xffff, v3  }
0x17b: {  	[tilespmem:v2+s23+$0x0] =	vst.idx.add.f32.msk $0xffff, v1  }
0x17c: {  	v2 =	vld [tilespmem:s6+$0x70];
	_ =	sdelay $0x2  }
0x17d: {  	v3 =	vld [tilespmem:s5+$0x70];
	_ =	sdelay $0x4  }
0x17e: {  	[tilespmem:v2+s4+$0x0] =	vst.idx.add.f32.msk $0xffff, v3  }
0x17f: {  	[tilespmem:v2+s23+$0x0] =	vst.idx.add.f32.msk $0xffff, v1  }
0x180: {  	v2 =	vld [tilespmem:s6+$0x80];
	_ =	sdelay $0x2  }
0x181: {  	v3 =	vld [tilespmem:s5+$0x80];
	_ =	sdelay $0x4  }
0x182: {  	[tilespmem:v2+s4+$0x0] =	vst.idx.add.f32.msk $0xffff, v3  }
0x183: {  	[tilespmem:v2+s23+$0x0] =	vst.idx.add.f32.msk $0xffff, v1  }
0x184: {  	v2 =	vld [tilespmem:s6+$0x90];
	_ =	sdelay $0x2  }
0x185: {  	v3 =	vld [tilespmem:s5+$0x90];
	_ =	sdelay $0x4  }
0x186: {  	[tilespmem:v2+s4+$0x0] =	vst.idx.add.f32.msk $0xffff, v3  }
0x187: {  	[tilespmem:v2+s23+$0x0] =	vst.idx.add.f32.msk $0xffff, v1  }
0x188: {  	v2 =	vld [tilespmem:s6+$0xA0];
	_ =	sdelay $0x2  }
0x189: {  	v3 =	vld [tilespmem:s5+$0xA0];
	_ =	sdelay $0x4  }
0x18a: {  	[tilespmem:v2+s4+$0x0] =	vst.idx.add.f32.msk $0xffff, v3  }
0x18b: {  	[tilespmem:v2+s23+$0x0] =	vst.idx.add.f32.msk $0xffff, v1  }
0x18c: {  	v2 =	vld [tilespmem:s6+$0xB0];
	_ =	sdelay $0x2  }
0x18d: {  	v3 =	vld [tilespmem:s5+$0xB0];
	_ =	sdelay $0x4  }
0x18e: {  	[tilespmem:v2+s4+$0x0] =	vst.idx.add.f32.msk $0xffff, v3  }
0x18f: {  	[tilespmem:v2+s23+$0x0] =	vst.idx.add.f32.msk $0xffff, v1  }
0x190: {  	v2 =	vld [tilespmem:s8+$0x5180];
	_ =	sdelay $0x2  }
0x191: {  	v3 =	vld [tilespmem:s8+$0x6180]  }
0x192: {  	p0 =	sne.s32 s7, $0x100  }
.Ltmp5:
0x193: {  	_ = 	snop;
	(pc) =	sbr.rel @p0 .LBB2_11-.Ltmp5, $3  }
0x194: {  	_ =	sdelay $0x1  }
0x195: {  	s3 =	sadd.s32 $0x190, s3;
	[tilespmem:v2+s4+$0x0] =	vst.idx.add.f32.msk $0xffff, v3  }
0x196: {  	s7 =	sadd.s32 $0x40, s7;
	s5 =	sadd.s32 $0x190, s5;
	s6 =	sadd.s32 $0x190, s6;
	[tilespmem:v2+s23+$0x0] =	vst.idx.add.f32.msk $0xffff, v1  }
0x197: {  	s3 =	simm.s32 $0x0;
	s5 =	rddreg [dreg:$0xa]  }
0x198: {  	[spmem:s5] =	stream.strided.scatter [tilespmem:s3], [sflag:$0x1], $0x2800, s26, s25, $0x38;
	[tilespmem:$0x11500] =	vst v63  }
0x199: {  	s7 =	rddreg [dreg:$0xb]  }
0x19a: {  	[spmem:s7] =	stream.strided.scatter [tilespmem:s23], [sflag:$0x2], $0x2800, s26, s25, $0x38;
	[tilespmem:$0x11500] =	vst v63  }
0x19b: {  	_ =	swait.ge [sflag:s22], $0x2800  }
0x19c: {  	[sflag:s22] =	ssyncset.done $0x0  }
0x19d: {  	[sflag:s22] =	ssyncadd.s32 $0xFFFFD800  }
0x19e: {  	_ =	swait.ge [sflag:s24], $0x2800  }
0x19f: {  	[sflag:s24] =	ssyncset.done $0x0  }
0x1a0: {  	[sflag:s24] =	ssyncadd.s32 $0xFFFFD800  }
0x1a1: {  	s8 =	simm.s32 $0x7000;
	[bflag:$0x0] =	sbarrier.arrive $0xFFFF  }
0x1a2: {  	[tilespmem:s8], [sflag:$0x1] =	stream.strided.gather [spmem:s13], $0x2800, s29, s28, $0x38;
	[tilespmem:$0x11500] =	vst v63  }
0x1a3: {  	s11 =	simm.s32 $0x9800  }
0x1a4: {  	[tilespmem:s11], [sflag:$0x2] =	stream.strided.gather [spmem:s14], $0x2800, s29, s28, $0x38;
	[tilespmem:$0x11500] =	vst v63  }
0x1a5: {  	_ =	swait.ge [sflag:s22], $0x2800  }
0x1a6: {  	s12 =	sand.u32 $0x70, s3;
	s3 =	sand.u32 $0x1C00, s3;
	[sflag:s22] =	ssyncset.done $0x0  }
0x1a7: {  	s3 =	sor.u32 s12, s3;
	[sflag:s22] =	ssyncadd.s32 $0xFFFFD800  }
0x1a8: {  	v2 =	vld [tilespmem:s3+$0x7080]  }
0x1a9: {  	v3 =	vld [tilespmem:s3+$0x7000];
	_ =	sdelay $0x1  }
0x1aa: {  	v4 =	vld [tilespmem:s3+$0x7100];
	_ =	sdelay $0x1  }
0x1ab: {  	v5 =	vld [tilespmem:s3+$0x7180]  }
0x1ac: {  	v2 =	vadd.f32 v2, v3  }
0x1ad: {  	v3 =	vld [tilespmem:s3+$0x7200]  }
0x1ae: {  	v2 =	vadd.f32 v4, v2  }
0x1af: {  	v56 =	vld [tilespmem:s3+$0x7280]  }
0x1b0: {  	v2 =	vadd.f32 v5, v2  }
0x1b1: {  	v57 =	vld [tilespmem:s3+$0x7300]  }
0x1b2: {  	v2 =	vadd.f32 v3, v2  }
0x1b3: {  	v3 =	vld [tilespmem:s3+$0x7380]  }
0x1b4: {  	v2 =	vadd.f32 v56, v2  }
0x1b5: {  	v58 =	vld [tilespmem:s3+$0x8400]  }
0x1b6: {  	v2 =	vadd.f32 v57, v2  }
0x1b7: {  	v59 =	vld [tilespmem:s3+$0x8480]  }
0x1b8: {  	v2 =	vadd.f32 v3, v2  }
0x1b9: {  	v3 =	vld [tilespmem:s3+$0x8500]  }
0x1ba: {  	v2 =	vadd.f32 v58, v2  }
0x1bb: {  	v60 =	vld [tilespmem:s3+$0x8580]  }
0x1bc: {  	v2 =	vadd.f32 v59, v2  }
0x1bd: {  	v61 =	vld [tilespmem:s3+$0x8600]  }
0x1be: {  	v2 =	vadd.f32 v3, v2  }
0x1bf: {  	v3 =	vld [tilespmem:s3+$0x8680]  }
0x1c0: {  	v2 =	vadd.f32 v60, v2  }
0x1c1: {  	v62 =	vld [tilespmem:s3+$0x8700]  }
0x1c2: {  	v2 =	vadd.f32 v61, v2  }
0x1c3: {  	v63 =	vld [tilespmem:s3+$0x8780]  }
0x1c4: {  	v2 =	vadd.f32 v3, v2;
	_ =	sdelay $0x1  }
0x1c5: {  	v2 =	vadd.f32 v62, v2;
	_ =	sdelay $0x1  }
0x1c6: {  	s30 =	simm.s32 $0x10;
	s6 =	simm.s32 $0x80;
	v2 =	vadd.f32 v63, v2  }
0x1c7: {  	s5 =	sand.u32 $0x70, s30;
	s7 =	sand.u32 $0x1C00, s6;
	s3 =	simm.s32 $0xC000  }
0x1c8: {  	s5 =	sor.u32 s5, s7;
	s7 =	simm.s32 $0x20;
	[tilespmem:s3+$0x0] =	vst v2  }
.LBB2_13:
0x1c9: {  	p0 =	sne.s32 s7, $0x270;
	v2 =	vld [tilespmem:s5+$0x7080]  }
0x1ca: {  	v3 =	vld [tilespmem:s5+$0x7000];
	_ =	sdelay $0x1  }
0x1cb: {  	v4 =	vld [tilespmem:s5+$0x7100];
	_ =	sdelay $0x1  }
0x1cc: {  	v5 =	vld [tilespmem:s5+$0x7180]  }
0x1cd: {  	v2 =	vadd.f32 v2, v3  }
0x1ce: {  	v3 =	vld [tilespmem:s5+$0x7200]  }
0x1cf: {  	v2 =	vadd.f32 v4, v2  }
0x1d0: {  	v4 =	vld [tilespmem:s5+$0x7280]  }
0x1d1: {  	v2 =	vadd.f32 v5, v2  }
0x1d2: {  	v5 =	vld [tilespmem:s5+$0x7300]  }
0x1d3: {  	v2 =	vadd.f32 v3, v2  }
0x1d4: {  	v3 =	vld [tilespmem:s5+$0x7380]  }
0x1d5: {  	v2 =	vadd.f32 v4, v2  }
0x1d6: {  	v4 =	vld [tilespmem:s5+$0x8400]  }
0x1d7: {  	v2 =	vadd.f32 v5, v2  }
0x1d8: {  	v5 =	vld [tilespmem:s5+$0x8480]  }
0x1d9: {  	v2 =	vadd.f32 v3, v2  }
0x1da: {  	v3 =	vld [tilespmem:s5+$0x8500]  }
0x1db: {  	v2 =	vadd.f32 v4, v2  }
0x1dc: {  	v4 =	vld [tilespmem:s5+$0x8580]  }
0x1dd: {  	v2 =	vadd.f32 v5, v2  }
0x1de: {  	v5 =	vld [tilespmem:s5+$0x8600]  }
0x1df: {  	v2 =	vadd.f32 v3, v2  }
0x1e0: {  	v3 =	vld [tilespmem:s5+$0x8680]  }
0x1e1: {  	v2 =	vadd.f32 v4, v2  }
0x1e2: {  	v4 =	vld [tilespmem:s5+$0x8700]  }
0x1e3: {  	v2 =	vadd.f32 v5, v2  }
0x1e4: {  	v5 =	vld [tilespmem:s5+$0x8780]  }
0x1e5: {  	v2 =	vadd.f32 v3, v2;
	_ =	sdelay $0x1  }
.Ltmp6:
0x1e6: {  	v2 =	vadd.f32 v4, v2;
	(pc) =	sbr.rel @p0 .LBB2_13-.Ltmp6, $4  }
0x1e7: {  	_ = 	snop  }
0x1e8: {  	s6 =	sadd.s32 $0x80, s6;
	v2 =	vadd.f32 v5, v2  }
0x1e9: {  	s3 =	sadd.s32 $0x10, s3;
	s8 =	sand.u32 $0x1C00, s6;
	s5 =	sand.u32 $0x70, s7  }
0x1ea: {  	s7 =	sadd.s32 $0x10, s7;
	s5 =	sor.u32 s5, s8;
	[tilespmem:s3+$0x0] =	vst v2  }
0x1eb: {  	v2 =	vld [tilespmem:s5+$0x7080]  }
0x1ec: {  	v3 =	vld [tilespmem:s5+$0x7000];
	_ =	sdelay $0x1  }
0x1ed: {  	v4 =	vld [tilespmem:s5+$0x7100];
	_ =	sdelay $0x1  }
0x1ee: {  	v5 =	vld [tilespmem:s5+$0x7180]  }
0x1ef: {  	v2 =	vadd.f32 v2, v3  }
0x1f0: {  	v3 =	vld [tilespmem:s5+$0x7200]  }
0x1f1: {  	v2 =	vadd.f32 v4, v2  }
0x1f2: {  	v46 =	vld [tilespmem:s5+$0x7280]  }
0x1f3: {  	v2 =	vadd.f32 v5, v2  }
0x1f4: {  	v47 =	vld [tilespmem:s5+$0x7300]  }
0x1f5: {  	v2 =	vadd.f32 v3, v2  }
0x1f6: {  	v3 =	vld [tilespmem:s5+$0x7380]  }
0x1f7: {  	v2 =	vadd.f32 v46, v2  }
0x1f8: {  	v48 =	vld [tilespmem:s5+$0x8400]  }
0x1f9: {  	v2 =	vadd.f32 v47, v2  }
0x1fa: {  	v49 =	vld [tilespmem:s5+$0x8480]  }
0x1fb: {  	v2 =	vadd.f32 v3, v2  }
0x1fc: {  	v3 =	vld [tilespmem:s5+$0x8500]  }
0x1fd: {  	v2 =	vadd.f32 v48, v2  }
0x1fe: {  	v50 =	vld [tilespmem:s5+$0x8580]  }
0x1ff: {  	v2 =	vadd.f32 v49, v2  }
0x200: {  	v51 =	vld [tilespmem:s5+$0x8600]  }
0x201: {  	v2 =	vadd.f32 v3, v2  }
0x202: {  	v3 =	vld [tilespmem:s5+$0x8680]  }
0x203: {  	v2 =	vadd.f32 v50, v2  }
0x204: {  	v52 =	vld [tilespmem:s5+$0x8700]  }
0x205: {  	v2 =	vadd.f32 v51, v2  }
0x206: {  	v53 =	vld [tilespmem:s5+$0x8780]  }
0x207: {  	v2 =	vadd.f32 v3, v2;
	_ =	sdelay $0x1  }
0x208: {  	v2 =	vadd.f32 v52, v2;
	_ =	sdelay $0x1  }
0x209: {  	v2 =	vadd.f32 v53, v2  }
0x20a: {  	s3 =	sadd.s32 $0x10, s3  }
0x20b: {  	s8 =	simm.s32 $0xC000;
	[tilespmem:s3+$0x0] =	vst v2  }
0x20c: {  	[hbm4b:s15+s25] =	stream.strided.scatter [tilespmem:s8], [sflag:$0x1], $0x280, s1, s25, $0x38;
	[tilespmem:$0x11500] =	vst v63  }
0x20d: {  	s11 =	simm.s32 $0x0;
	_ =	swait.ge [sflag:s24], $0x2800  }
0x20e: {  	s12 =	sand.u32 $0x70, s11;
	s3 =	sand.u32 $0x1C00, s11;
	[sflag:s24] =	ssyncset.done $0x0  }
0x20f: {  	s3 =	sor.u32 s12, s3;
	[sflag:s24] =	ssyncadd.s32 $0xFFFFD800  }
0x210: {  	v2 =	vld [tilespmem:s3+$0x9880]  }
0x211: {  	v3 =	vld [tilespmem:s3+$0x9800];
	_ =	sdelay $0x1  }
0x212: {  	v54 =	vld [tilespmem:s3+$0x9900];
	_ =	sdelay $0x1  }
0x213: {  	v55 =	vld [tilespmem:s3+$0x9980]  }
0x214: {  	v2 =	vadd.f32 v2, v3  }
0x215: {  	v3 =	vld [tilespmem:s3+$0x9A00]  }
0x216: {  	v2 =	vadd.f32 v54, v2  }
0x217: {  	v56 =	vld [tilespmem:s3+$0x9A80]  }
0x218: {  	v2 =	vadd.f32 v55, v2  }
0x219: {  	v57 =	vld [tilespmem:s3+$0x9B00]  }
0x21a: {  	v2 =	vadd.f32 v3, v2  }
0x21b: {  	v3 =	vld [tilespmem:s3+$0x9B80]  }
0x21c: {  	v2 =	vadd.f32 v56, v2  }
0x21d: {  	v58 =	vld [tilespmem:s3+$0xAC00]  }
0x21e: {  	v2 =	vadd.f32 v57, v2  }
0x21f: {  	v59 =	vld [tilespmem:s3+$0xAC80]  }
0x220: {  	v2 =	vadd.f32 v3, v2  }
0x221: {  	v3 =	vld [tilespmem:s3+$0xAD00]  }
0x222: {  	v2 =	vadd.f32 v58, v2  }
0x223: {  	v60 =	vld [tilespmem:s3+$0xAD80]  }
0x224: {  	v2 =	vadd.f32 v59, v2  }
0x225: {  	v61 =	vld [tilespmem:s3+$0xAE00]  }
0x226: {  	v2 =	vadd.f32 v3, v2  }
0x227: {  	v3 =	vld [tilespmem:s3+$0xAE80]  }
0x228: {  	v2 =	vadd.f32 v60, v2  }
0x229: {  	v62 =	vld [tilespmem:s3+$0xAF00]  }
0x22a: {  	v2 =	vadd.f32 v61, v2  }
0x22b: {  	v63 =	vld [tilespmem:s3+$0xAF80]  }
0x22c: {  	v2 =	vadd.f32 v3, v2;
	_ =	sdelay $0x1  }
0x22d: {  	v2 =	vadd.f32 v62, v2;
	_ =	sdelay $0x1  }
0x22e: {  	s30 =	simm.s32 $0x10;
	s6 =	simm.s32 $0x80;
	v2 =	vadd.f32 v63, v2  }
0x22f: {  	s7 =	sand.u32 $0x1C00, s6;
	s5 =	sand.u32 $0x70, s30;
	s3 =	simm.s32 $0xC280  }
0x230: {  	s5 =	sor.u32 s5, s7;
	s7 =	simm.s32 $0x20;
	[tilespmem:s3+$0x0] =	vst v2  }
.LBB2_15:
0x231: {  	p0 =	sne.s32 s7, $0x270;
	v2 =	vld [tilespmem:s5+$0x9880]  }
0x232: {  	v3 =	vld [tilespmem:s5+$0x9800];
	_ =	sdelay $0x1  }
0x233: {  	v4 =	vld [tilespmem:s5+$0x9900];
	_ =	sdelay $0x1  }
0x234: {  	v5 =	vld [tilespmem:s5+$0x9980]  }
0x235: {  	v2 =	vadd.f32 v2, v3  }
0x236: {  	v3 =	vld [tilespmem:s5+$0x9A00]  }
0x237: {  	v2 =	vadd.f32 v4, v2  }
0x238: {  	v4 =	vld [tilespmem:s5+$0x9A80]  }
0x239: {  	v2 =	vadd.f32 v5, v2  }
0x23a: {  	v5 =	vld [tilespmem:s5+$0x9B00]  }
0x23b: {  	v2 =	vadd.f32 v3, v2  }
0x23c: {  	v3 =	vld [tilespmem:s5+$0x9B80]  }
0x23d: {  	v2 =	vadd.f32 v4, v2  }
0x23e: {  	v4 =	vld [tilespmem:s5+$0xAC00]  }
0x23f: {  	v2 =	vadd.f32 v5, v2  }
0x240: {  	v5 =	vld [tilespmem:s5+$0xAC80]  }
0x241: {  	v2 =	vadd.f32 v3, v2  }
0x242: {  	v3 =	vld [tilespmem:s5+$0xAD00]  }
0x243: {  	v2 =	vadd.f32 v4, v2  }
0x244: {  	v4 =	vld [tilespmem:s5+$0xAD80]  }
0x245: {  	v2 =	vadd.f32 v5, v2  }
0x246: {  	v5 =	vld [tilespmem:s5+$0xAE00]  }
0x247: {  	v2 =	vadd.f32 v3, v2  }
0x248: {  	v3 =	vld [tilespmem:s5+$0xAE80]  }
0x249: {  	v2 =	vadd.f32 v4, v2  }
0x24a: {  	v4 =	vld [tilespmem:s5+$0xAF00]  }
0x24b: {  	v2 =	vadd.f32 v5, v2  }
0x24c: {  	v5 =	vld [tilespmem:s5+$0xAF80]  }
0x24d: {  	v2 =	vadd.f32 v3, v2;
	_ =	sdelay $0x1  }
.Ltmp7:
0x24e: {  	v2 =	vadd.f32 v4, v2;
	(pc) =	sbr.rel @p0 .LBB2_15-.Ltmp7, $4  }
0x24f: {  	_ = 	snop  }
0x250: {  	s6 =	sadd.s32 $0x80, s6;
	v2 =	vadd.f32 v5, v2  }
0x251: {  	s3 =	sadd.s32 $0x10, s3;
	s8 =	sand.u32 $0x1C00, s6;
	s5 =	sand.u32 $0x70, s7  }
0x252: {  	s7 =	sadd.s32 $0x10, s7;
	s5 =	sor.u32 s5, s8;
	[tilespmem:s3+$0x0] =	vst v2  }
0x253: {  	v2 =	vld [tilespmem:s5+$0x9880]  }
0x254: {  	v3 =	vld [tilespmem:s5+$0x9800];
	_ =	sdelay $0x1  }
0x255: {  	v4 =	vld [tilespmem:s5+$0x9900];
	_ =	sdelay $0x1  }
0x256: {  	v5 =	vld [tilespmem:s5+$0x9980]  }
0x257: {  	v2 =	vadd.f32 v2, v3  }
0x258: {  	v3 =	vld [tilespmem:s5+$0x9A00]  }
0x259: {  	v2 =	vadd.f32 v4, v2  }
0x25a: {  	v56 =	vld [tilespmem:s5+$0x9A80]  }
0x25b: {  	v2 =	vadd.f32 v5, v2  }
0x25c: {  	v57 =	vld [tilespmem:s5+$0x9B00]  }
0x25d: {  	v2 =	vadd.f32 v3, v2  }
0x25e: {  	v3 =	vld [tilespmem:s5+$0x9B80]  }
0x25f: {  	v2 =	vadd.f32 v56, v2  }
0x260: {  	v58 =	vld [tilespmem:s5+$0xAC00]  }
0x261: {  	v2 =	vadd.f32 v57, v2  }
0x262: {  	v59 =	vld [tilespmem:s5+$0xAC80]  }
0x263: {  	v2 =	vadd.f32 v3, v2  }
0x264: {  	v3 =	vld [tilespmem:s5+$0xAD00]  }
0x265: {  	v2 =	vadd.f32 v58, v2  }
0x266: {  	v60 =	vld [tilespmem:s5+$0xAD80]  }
0x267: {  	v2 =	vadd.f32 v59, v2  }
0x268: {  	v61 =	vld [tilespmem:s5+$0xAE00]  }
0x269: {  	v2 =	vadd.f32 v3, v2  }
0x26a: {  	v3 =	vld [tilespmem:s5+$0xAE80]  }
0x26b: {  	v2 =	vadd.f32 v60, v2  }
0x26c: {  	v62 =	vld [tilespmem:s5+$0xAF00]  }
0x26d: {  	v2 =	vadd.f32 v61, v2  }
0x26e: {  	v63 =	vld [tilespmem:s5+$0xAF80]  }
0x26f: {  	v2 =	vadd.f32 v3, v2;
	_ =	sdelay $0x1  }
0x270: {  	v2 =	vadd.f32 v62, v2;
	_ =	sdelay $0x1  }
0x271: {  	v2 =	vadd.f32 v63, v2  }
0x272: {  	s3 =	sadd.s32 $0x10, s3  }
0x273: {  	s30 =	simm.s32 $0xC280;
	s31 =	sadd.s32 $0x1, s31;
	[tilespmem:s3+$0x0] =	vst v2  }
0x274: {  	[hbm4b:s16+s25] =	stream.strided.scatter [tilespmem:s30], [sflag:$0x2], $0x280, s1, s25, $0x38;
	[tilespmem:$0x11500] =	vst v63  }
0x275: {  	p0 =	sne.s32 s31, s17;
	_ =	swait.ge [sflag:s22], $0x280  }
.Ltmp8:
0x276: {  	[sflag:s22] =	ssyncset.done $0x0;
	(pc) =	sbr.rel @p0 .LBB2_1-.Ltmp8, $4  }
0x277: {  	[sflag:s22] =	ssyncadd.s32 $0xFFFFFD80  }
0x278: {  	_ =	swait.ge [sflag:s24], $0x280  }
0x279: {  	[sflag:s24] =	ssyncset.done $0x0  }
0x27a: {  	[sflag:s24] =	ssyncadd.s32 $0xFFFFFD80  }
0x27b: {  	_ =	sfence.sel $0x180000  }
0x27c: {  	[bflag:$0x0] =	sbarrier.arrive $0xFFFF  }
0x27d: {  	_ =	strace $0x90000047  }
0x27e: {  	s0 =	stileid.u32;
	[bflag:$0x2] =	sbarrier.arrive $0xFFFF  }
0x27f: {  	p0 =	sne.s32 s0, $0x0;
	s0 =	rddreg [dreg:$0x5]  }
0x280: {  	s0 =	sadd.s32 @!p0 $0x100000, s0  }
0x281: {  	[sflag:s0] =	ssyncadd.tile.s32 @!p0 $0x1;
	_ =	shalt  }
.Lfunc_end2:
_tile_overlayer_lowered:
.L_overlay_start_2:
0x282: {  	(tag) =	ssettag $0x2  }
0x283: {  	s0 =	rddreg [dreg:$0x0];
	s2 =	stileid.u32  }
0x284: {  	s1 =	rddreg [dreg:$0x1];
	p0 =	sne.s32 s2, $0x0  }
0x285: {  	s3 =	rddreg [dreg:$0x2];
	[bflag:$0x3] =	sbarrier.arrive $0xFFFF;
	s2 =	simm.s32 @!p0 $0x1C03  }
0x286: {  	[timem:s3], [sflag:s2] =	dma.local @!p0 [hbm:s0], s1  }
0x287: {  	s0 =	simm.s32 @!p0 $0x3  }
0x288: {  	_ =	swait.ge @!p0 [sflag:s0], s1  }
0x289: {  	s1 =	ssub.s32 @!p0 $0x0, s1;
	[sflag:s0] =	ssyncset.done @!p0 $0x0  }
0x28a: {  	[sflag:s0] =	ssyncadd.s32 @!p0 s1  }
0x28b: {  	[bflag:$0x3] =	sbarrier.arrive $0xFFFF  }
0x28c: {  	_ =	shalt  }

</sc_bundles>
